<compile_context>
chip_gen: v7x
topology: tpu7x:2x2x1
jax: 0.10.2.dev20260603
libtpu: 0.0.44.dev20260713+nightly
codegen_flags: <defaults>
</compile_context>

<pallas_src>
import jax
import jax.numpy as jnp
from jax import lax
from jax.experimental import pallas as pl
from jax.experimental.pallas import tpu as pltpu
from jax.experimental.pallas import tpu_sc as plsc

N = 10000
E = 320000
D = 128
EPS = 1e-5

NSC = 2
NTEC = 16
CH = 128
CHUNKS_PER_TILE = -(-E // (CH * NTEC))
E_PAD = CHUNKS_PER_TILE * CH * NTEC
NHALF = 5120
NHROWS = NHALF + 8


def _dloc(dst_v, dloc_v, lo):
    for j in range(CH // 16):
        dv = dst_v[pl.ds(j * 16, 16)]
        inr = jnp.logical_and(dv >= lo, dv < lo + NHALF)
        dloc_v[pl.ds(j * 16, 16)] = jnp.where(inr, dv - lo, NHALF)


def _sc_agg(x, src2, dst2, zrow):
    mesh = plsc.VectorSubcoreMesh(core_axis_name="c", subcore_axis_name="s")

    def body(x_hbm, src_hbm, dst_hbm, zrow_hbm, agg_out,
             src_a, dst_a, dloc_a, rows_a, agg_sh, sem_ga):
        c = lax.axis_index("c")
        s = lax.axis_index("s")
        lo = c * NHALF

        @pl.when(s == 0)
        def _():
            pltpu.sync_copy(zrow_hbm, agg_sh)

        plsc.subcore_barrier()

        def chunk(cix, _):
            off = (s * CHUNKS_PER_TILE + cix) * CH
            pltpu.sync_copy(src_hbm.at[pl.ds(off, CH)], src_a)
            pltpu.sync_copy(dst_hbm.at[pl.ds(off, CH)], dst_a)
            pltpu.async_copy(x_hbm.at[src_a], rows_a, sem_ga).wait()
            _dloc(dst_a, dloc_a, lo)
            pltpu.sync_copy(rows_a, agg_sh.at[dloc_a], add=True)
            return 0
        lax.fori_loop(0, CHUNKS_PER_TILE, chunk, 0)

        plsc.subcore_barrier()

        @pl.when(s == 0)
        def _():
            pltpu.sync_copy(agg_sh, agg_out.at[c])

    f = pl.kernel(
        body,
        out_type=jax.ShapeDtypeStruct((NSC, NHROWS, D), jnp.float32),
        mesh=mesh,
        scratch_types=(
            pltpu.VMEM((CH,), jnp.int32),
            pltpu.VMEM((CH,), jnp.int32),
            pltpu.VMEM((CH,), jnp.int32),
            pltpu.VMEM((CH, D), jnp.float32),
            pltpu.VMEM_SHARED((NHROWS, D), jnp.float32),
            pltpu.SemaphoreType.DMA,
        ),
    )
    return f(x, src2, dst2, zrow)


def _sc_cnt(dst2, zrow):
    mesh = plsc.VectorSubcoreMesh(core_axis_name="c", subcore_axis_name="s")

    def body(dst_hbm, zrow_hbm, cnt_out, dst_v, dloc_v, ones_v, cnt_sh):
        c = lax.axis_index("c")
        s = lax.axis_index("s")
        lo = c * NHALF

        one16 = jnp.ones((16,), jnp.float32)

        def ofill(i, _):
            for j in range(D // 16):
                ones_v[i, pl.ds(j * 16, 16)] = one16
            return 0
        lax.fori_loop(0, CH, ofill, 0)

        @pl.when(s == 0)
        def _():
            pltpu.sync_copy(zrow_hbm, cnt_sh)

        plsc.subcore_barrier()

        def chunk(cix, _):
            off = (s * CHUNKS_PER_TILE + cix) * CH
            pltpu.sync_copy(dst_hbm.at[pl.ds(off, CH)], dst_v)
            _dloc(dst_v, dloc_v, lo)
            pltpu.sync_copy(ones_v, cnt_sh.at[dloc_v], add=True)
            return 0
        lax.fori_loop(0, CHUNKS_PER_TILE, chunk, 0)

        plsc.subcore_barrier()

        @pl.when(s == 0)
        def _():
            pltpu.sync_copy(cnt_sh, cnt_out.at[c])

    f = pl.kernel(
        body,
        out_type=jax.ShapeDtypeStruct((NSC, NHROWS, D), jnp.float32),
        mesh=mesh,
        scratch_types=(
            pltpu.VMEM((CH,), jnp.int32),
            pltpu.VMEM((CH,), jnp.int32),
            pltpu.VMEM((CH, D), jnp.float32),
            pltpu.VMEM_SHARED((NHROWS, D), jnp.float32),
        ),
    )
    return f(dst2, zrow)


BLK = 2000
NBLK = N // BLK


def _tc_dense(agg, cnt, x, W_l, b_l, W_r, gamma, beta):
    def body_a(agg_ref, cnt_ref, x_ref, wl_ref, bl_ref, wr_ref,
               xraw_ref, stats_ref):
        @pl.when(pl.program_id(0) == 0)
        def _():
            stats_ref[...] = jnp.zeros_like(stats_ref)

        mean = agg_ref[...] / jnp.maximum(cnt_ref[...], 1.0)
        xr = lax.dot_general(mean, wl_ref[...], (((1,), (1,)), ((), ())),
                             preferred_element_type=jnp.float32,
                             precision=lax.Precision.HIGHEST)
        xr = xr + bl_ref[...]
        xr = xr + lax.dot_general(x_ref[...], wr_ref[...], (((1,), (1,)), ((), ())),
                                  preferred_element_type=jnp.float32,
                                  precision=lax.Precision.HIGHEST)
        xraw_ref[...] = xr
        stats_ref[0:1, :] += jnp.sum(xr, axis=0, keepdims=True)
        stats_ref[1:2, :] += jnp.sum(xr * xr, axis=0, keepdims=True)

    x_raw, stats = pl.pallas_call(
        body_a,
        grid=(NBLK,),
        in_specs=[
            pl.BlockSpec((BLK, D), lambda i: (i, 0)),
            pl.BlockSpec((BLK, 1), lambda i: (i, 0)),
            pl.BlockSpec((BLK, D), lambda i: (i, 0)),
            pl.BlockSpec((D, D), lambda i: (0, 0)),
            pl.BlockSpec((1, D), lambda i: (0, 0)),
            pl.BlockSpec((D, D), lambda i: (0, 0)),
        ],
        out_specs=(
            pl.BlockSpec((BLK, D), lambda i: (i, 0)),
            pl.BlockSpec((8, D), lambda i: (0, 0)),
        ),
        out_shape=(
            jax.ShapeDtypeStruct((N, D), jnp.float32),
            jax.ShapeDtypeStruct((8, D), jnp.float32),
        ),
    )(agg, cnt, x, W_l, b_l, W_r)

    def body_b(xr_ref, stats_ref, g_ref, b_ref, xd_ref):
        mu = stats_ref[0:1, :] * (1.0 / N)
        var = stats_ref[1:2, :] * (1.0 / N) - mu * mu
        xr = xr_ref[...]
        xd_ref[...] = g_ref[...] * (xr - mu) * lax.rsqrt(var + EPS) + b_ref[...]

    x_deskewed = pl.pallas_call(
        body_b,
        grid=(NBLK,),
        in_specs=[
            pl.BlockSpec((BLK, D), lambda i: (i, 0)),
            pl.BlockSpec((8, D), lambda i: (0, 0)),
            pl.BlockSpec((1, D), lambda i: (0, 0)),
            pl.BlockSpec((1, D), lambda i: (0, 0)),
        ],
        out_specs=pl.BlockSpec((BLK, D), lambda i: (i, 0)),
        out_shape=jax.ShapeDtypeStruct((N, D), jnp.float32),
    )(x_raw, stats, gamma, beta)
    return x_raw, x_deskewed


def kernel(x, edge_index, W_l, b_l, W_r, gamma, beta):
    src = edge_index[0]
    dst = edge_index[1]
    npad = E_PAD - E
    src2 = jnp.concatenate([src, jnp.zeros((npad,), jnp.int32)])
    dst2 = jnp.concatenate([dst, jnp.full((npad,), N, jnp.int32)])
    zrow = jnp.zeros((NHROWS, D), jnp.float32)
    aggp = _sc_agg(x, src2, dst2, zrow)
    cntp = _sc_cnt(dst2, zrow)
    agg = aggp[:, :NHALF].reshape(2 * NHALF, D)[:N]
    cnt = cntp[:, :NHALF, 0:1].reshape(2 * NHALF, 1)[:N]
    x_raw, x_deskewed = _tc_dense(
        agg, cnt, x, W_l,
        b_l.reshape(1, D), W_r, gamma.reshape(1, D), beta.reshape(1, D))
    return (x_raw, x_deskewed)

# --- scband reference (transcript-rebuilt; emitter-appended) ---
"""Pipeline reference for scband-fdse-graph-sage-layer-61443802137343 (READ-ONLY COPY).

The authoritative reference and input builder live on the scoring server;
editing this copy changes nothing except your own understanding.
"""

import jax, jax.numpy as jnp
import numpy as np

N = 10000
E = 320000
D_IN = 128
D_OUT = 128
EPS = 1e-5


def setup_inputs(seed: int = 0) -> dict:
    key = jax.random.key(seed)
    k1, k2, k3, k4, k5, k6, k7 = jax.random.split(key, 7)
    x = jax.random.normal(k1, (N, D_IN), dtype=jnp.float32)
    edge_index = jax.random.randint(k2, (2, E), 0, N, dtype=jnp.int32)
    # SAGEConv params: lin_l (applied to aggregated neighbors, with bias), lin_r (applied to root, no bias)
    s = 1.0 / np.sqrt(D_IN)
    W_l = jax.random.uniform(k3, (D_OUT, D_IN), dtype=jnp.float32, minval=-s, maxval=s)
    b_l = jax.random.uniform(k4, (D_OUT,), dtype=jnp.float32, minval=-s, maxval=s)
    W_r = jax.random.uniform(k5, (D_OUT, D_IN), dtype=jnp.float32, minval=-s, maxval=s)
    # BatchNorm1d affine params (training mode: batch statistics)
    gamma = jnp.ones((D_OUT,), dtype=jnp.float32)
    beta = jnp.zeros((D_OUT,), dtype=jnp.float32)
    return {"x": x, "edge_index": edge_index, "W_l": W_l, "b_l": b_l, "W_r": W_r, "gamma": gamma, "beta": beta}


def reference(x, edge_index, W_l, b_l, W_r, gamma, beta):
    src = edge_index[0]
    dst = edge_index[1]
    # DFE: SAGEConv with mean aggregation
    msgs = jnp.take(x, src, axis=0)                      # gather [E, D_IN]
    agg_sum = jax.ops.segment_sum(msgs, dst, num_segments=N)
    cnt = jax.ops.segment_sum(jnp.ones((E,), jnp.float32), dst, num_segments=N)
    agg_mean = agg_sum / jnp.clip(cnt, 1.0)[:, None]
    x_raw = agg_mean @ W_l.T + b_l + x @ W_r.T
    # DSE: BatchNorm1d (training mode, biased variance)
    mu = jnp.mean(x_raw, axis=0)
    var = jnp.mean((x_raw - mu) ** 2, axis=0)
    x_deskewed = gamma * (x_raw - mu) / jnp.sqrt(var + EPS) + beta
    return (x_raw, x_deskewed)

if __name__ == "__main__":
    import jax
    _d = setup_inputs()
    print(jax.jit(kernel)(*tuple(_d.values())))

</pallas_src>

<mosaic_0001>
#map = affine_map<(d0, d1) -> (0, 0)>
#map1 = affine_map<(d0, d1) -> (0)>
#map2 = affine_map<(d0, d1) -> (0, 0, 0)>
module attributes {stable_mosaic.version = 14 : i64} {
  func.func @body(%arg0: i32, %arg1: i32, %arg2: memref<10000x128xf32, #tpu.memory_space<hbm>>, %arg3: memref<321536xi32, #tpu.memory_space<hbm>>, %arg4: memref<321536xi32, #tpu.memory_space<hbm>>, %arg5: memref<5128x128xf32, #tpu.memory_space<hbm>>, %arg6: memref<2x5128x128xf32, #tpu.memory_space<hbm>>, %arg7: memref<128xi32, #tpu.memory_space<vmem>>, %arg8: memref<128xi32, #tpu.memory_space<vmem>>, %arg9: memref<128xi32, #tpu.memory_space<vmem>>, %arg10: memref<128x128xf32, #tpu.memory_space<vmem>>, %arg11: memref<5128x128xf32, #tpu.memory_space<vmem_shared>>, %arg12: memref<!tpu.dma_semaphore, #tpu.memory_space<semaphore_mem>>) attributes {dimension_semantics = [#tpu.dimension_semantics<core_parallel>, #tpu.dimension_semantics<subcore_parallel>], iteration_bounds = array<i64: 2, 16>, scalar_prefetch = 0 : i64, scratch_operands = 6 : i64, tpu.core_type = #tpu.core_type<sc_vector_subcore>, window_params = [{transform_indices = #map}, {transform_indices = #map1}, {transform_indices = #map1}, {transform_indices = #map}, {transform_indices = #map2}]} {
    %mul3A = arith.constant 5120 : i32
    %mul3A_0 = arith.muli %arg0, %mul3A : i32
    %eq3A = arith.constant 0 : i32
    %eq3A_1 = arith.cmpi eq, %arg1, %eq3A : i32
    %convert_element_type3A = arith.extui %eq3A_1 : i1 to i32
    %cond3A = arith.constant 0 : i32
    %cond3A_2 = arith.cmpi ne, %convert_element_type3A, %cond3A : i32
    scf.if %cond3A_2 {
      "tpu.region"() ({
        %run_scoped3A = tpu.sem_alloc : memref<!tpu.dma_semaphore, #tpu.memory_space<semaphore_mem>>
        tpu.enqueue_dma source(%arg5 : memref<5128x128xf32, #tpu.memory_space<hbm>>) target(%arg11 : memref<5128x128xf32, #tpu.memory_space<vmem_shared>>) target_semaphore(%run_scoped3A : memref<!tpu.dma_semaphore, #tpu.memory_space<semaphore_mem>>)
        tpu.wait_dma2 semaphore(%run_scoped3A : memref<!tpu.dma_semaphore, #tpu.memory_space<semaphore_mem>>) src(%arg5 : memref<5128x128xf32, #tpu.memory_space<hbm>>) dst(%arg11 : memref<5128x128xf32, #tpu.memory_space<vmem_shared>>)
        tpu.yield
      }) : () -> ()
    } else {
    }
    %barrier3A = arith.constant 0 : index
    tpu.barrier barrier_id(%barrier3A)
    %scan3A = arith.constant 0 : i32
    %scan3A_3 = arith.constant 0 : i32
    %scan3A_4 = arith.constant 157 : i32
    %scan3A_5 = arith.addi %scan3A_3, %scan3A_4 : i32
    %scan3A_6 = arith.constant 1 : i32
    %scan3A_7 = scf.for %scan3A_15 = %scan3A_3 to %scan3A_5 step %scan3A_6 iter_args(%scan3A_16 = %scan3A) -> (i32)  : i32 {
      %mul3A_17 = arith.constant 157 : i32
      %mul3A_18 = arith.muli %arg1, %mul3A_17 : i32
      %add3A = arith.addi %mul3A_18, %scan3A_15 : i32
      %mul3A_19 = arith.constant 128 : i32
      %mul3A_20 = arith.muli %add3A, %mul3A_19 : i32
      "tpu.region"() ({
        %run_scoped3A = tpu.sem_alloc : memref<!tpu.dma_semaphore, #tpu.memory_space<semaphore_mem>>
        %dma_start3A_169 = tpu.memref_slice %arg3[%mul3A_20] : memref<321536xi32, #tpu.memory_space<hbm>> -> memref<128xi32, #tpu.memory_space<hbm>>
        %dma_start3A_170 = tpu.memref_slice %arg3[%mul3A_20] : memref<321536xi32, #tpu.memory_space<hbm>> -> memref<128xi32, #tpu.memory_space<hbm>>
        tpu.enqueue_dma source(%dma_start3A_170 : memref<128xi32, #tpu.memory_space<hbm>>) target(%arg7 : memref<128xi32, #tpu.memory_space<vmem>>) target_semaphore(%run_scoped3A : memref<!tpu.dma_semaphore, #tpu.memory_space<semaphore_mem>>)
        %dma_wait3A_171 = tpu.memref_slice %arg3[%mul3A_20] : memref<321536xi32, #tpu.memory_space<hbm>> -> memref<128xi32, #tpu.memory_space<hbm>>
        %dma_wait3A_172 = tpu.memref_slice %arg3[%mul3A_20] : memref<321536xi32, #tpu.memory_space<hbm>> -> memref<128xi32, #tpu.memory_space<hbm>>
        tpu.wait_dma2 semaphore(%run_scoped3A : memref<!tpu.dma_semaphore, #tpu.memory_space<semaphore_mem>>) src(%dma_wait3A_172 : memref<128xi32, #tpu.memory_space<hbm>>) dst(%arg7 : memref<128xi32, #tpu.memory_space<vmem>>)
        tpu.yield
      }) : () -> ()
      "tpu.region"() ({
        %run_scoped3A = tpu.sem_alloc : memref<!tpu.dma_semaphore, #tpu.memory_space<semaphore_mem>>
        %dma_start3A_169 = tpu.memref_slice %arg4[%mul3A_20] : memref<321536xi32, #tpu.memory_space<hbm>> -> memref<128xi32, #tpu.memory_space<hbm>>
        %dma_start3A_170 = tpu.memref_slice %arg4[%mul3A_20] : memref<321536xi32, #tpu.memory_space<hbm>> -> memref<128xi32, #tpu.memory_space<hbm>>
        tpu.enqueue_dma source(%dma_start3A_170 : memref<128xi32, #tpu.memory_space<hbm>>) target(%arg8 : memref<128xi32, #tpu.memory_space<vmem>>) target_semaphore(%run_scoped3A : memref<!tpu.dma_semaphore, #tpu.memory_space<semaphore_mem>>)
        %dma_wait3A_171 = tpu.memref_slice %arg4[%mul3A_20] : memref<321536xi32, #tpu.memory_space<hbm>> -> memref<128xi32, #tpu.memory_space<hbm>>
        %dma_wait3A_172 = tpu.memref_slice %arg4[%mul3A_20] : memref<321536xi32, #tpu.memory_space<hbm>> -> memref<128xi32, #tpu.memory_space<hbm>>
        tpu.wait_dma2 semaphore(%run_scoped3A : memref<!tpu.dma_semaphore, #tpu.memory_space<semaphore_mem>>) src(%dma_wait3A_172 : memref<128xi32, #tpu.memory_space<hbm>>) dst(%arg8 : memref<128xi32, #tpu.memory_space<vmem>>)
        tpu.yield
      }) : () -> ()
      %dma_start3A = arith.constant 0 : i32
      %dma_start3A_21 = arith.constant 0 : i32
      %dma_start3A_22 = tpu.memref_slice %arg2[%dma_start3A, %dma_start3A_21] : memref<10000x128xf32, #tpu.memory_space<hbm>> -> memref<10000x128xf32, #tpu.memory_space<hbm>>
      tpu.enqueue_indirect_dma source(%dma_start3A_22 : memref<10000x128xf32, #tpu.memory_space<hbm>>) target(%arg10 : memref<128x128xf32, #tpu.memory_space<vmem>>) offsets(%arg7 : memref<128xi32, #tpu.memory_space<vmem>>) semaphore(%arg12 : memref<!tpu.dma_semaphore, #tpu.memory_space<semaphore_mem>>)
      %dma_wait3A = arith.constant 0 : i32
      %dma_wait3A_23 = arith.constant 0 : i32
      %dma_wait3A_24 = tpu.memref_slice %arg2[%dma_wait3A, %dma_wait3A_23] : memref<10000x128xf32, #tpu.memory_space<hbm>> -> memref<10000x128xf32, #tpu.memory_space<hbm>>
      tpu.wait_indirect_dma semaphore(%arg12 : memref<!tpu.dma_semaphore, #tpu.memory_space<semaphore_mem>>) src(%dma_wait3A_24 : memref<10000x128xf32, #tpu.memory_space<hbm>>) dst(%arg10 : memref<128x128xf32, #tpu.memory_space<vmem>>)
      %get3A = arith.constant 0 : index
      %get3A_25 = tpu.vector_load %arg8[%get3A] {strides = array<i32>} : memref<128xi32, #tpu.memory_space<vmem>>, vector<16xi32>,
      %get3A_26 = vector.shape_cast %get3A_25 : vector<16xi32> to vector<16xi32>
      %ge3A = vector.broadcast %mul3A_0 : i32 to vector<16xi32>
      %ge3A_27 = arith.cmpi sge, %get3A_26, %ge3A : vector<16xi32>
      %add3A_28 = arith.constant 5120 : i32
      %add3A_29 = arith.addi %mul3A_0, %add3A_28 : i32
      %lt3A = vector.broadcast %add3A_29 : i32 to vector<16xi32>
      %lt3A_30 = arith.cmpi slt, %get3A_26, %lt3A : vector<16xi32>
      %and3A = arith.andi %ge3A_27, %lt3A_30 : vector<16xi1>
      %sub3A = vector.broadcast %mul3A_0 : i32 to vector<16xi32>
      %sub3A_31 = arith.subi %get3A_26, %sub3A : vector<16xi32>
      %jit3A = arith.constant 5120 : i32
      %broadcast_in_dim3A = vector.broadcast %jit3A : i32 to vector<16xi32>
      %select_n3A = arith.select %and3A, %sub3A_31, %broadcast_in_dim3A : vector<16xi1>, vector<16xi32>
      %swap3A = arith.constant 0 : index
      %swap3A_32 = tpu.vector_load %arg9[%swap3A] {strides = array<i32>} : memref<128xi32, #tpu.memory_space<vmem>>, vector<16xi32>,
      %swap3A_33 = vector.shape_cast %swap3A_32 : vector<16xi32> to vector<16xi32>
      %swap3A_34 = vector.shape_cast %select_n3A : vector<16xi32> to vector<16xi32>
      tpu.vector_store %arg9[%swap3A], %swap3A_34 {strides = array<i32>} : memref<128xi32, #tpu.memory_space<vmem>>, vector<16xi32>,
      %get3A_35 = arith.constant 16 : index
      %get3A_36 = tpu.vector_load %arg8[%get3A_35] {strides = array<i32>} : memref<128xi32, #tpu.memory_space<vmem>>, vector<16xi32>,
      %get3A_37 = vector.shape_cast %get3A_36 : vector<16xi32> to vector<16xi32>
      %ge3A_38 = vector.broadcast %mul3A_0 : i32 to vector<16xi32>
      %ge3A_39 = arith.cmpi sge, %get3A_37, %ge3A_38 : vector<16xi32>
      %add3A_40 = arith.constant 5120 : i32
      %add3A_41 = arith.addi %mul3A_0, %add3A_40 : i32
      %lt3A_42 = vector.broadcast %add3A_41 : i32 to vector<16xi32>
      %lt3A_43 = arith.cmpi slt, %get3A_37, %lt3A_42 : vector<16xi32>
      %and3A_44 = arith.andi %ge3A_39, %lt3A_43 : vector<16xi1>
      %sub3A_45 = vector.broadcast %mul3A_0 : i32 to vector<16xi32>
      %sub3A_46 = arith.subi %get3A_37, %sub3A_45 : vector<16xi32>
      %jit3A_47 = arith.constant 5120 : i32
      %broadcast_in_dim3A_48 = vector.broadcast %jit3A_47 : i32 to vector<16xi32>
      %select_n3A_49 = arith.select %and3A_44, %sub3A_46, %broadcast_in_dim3A_48 : vector<16xi1>, vector<16xi32>
      %swap3A_50 = arith.constant 16 : index
      %swap3A_51 = tpu.vector_load %arg9[%swap3A_50] {strides = array<i32>} : memref<128xi32, #tpu.memory_space<vmem>>, vector<16xi32>,
      %swap3A_52 = vector.shape_cast %swap3A_51 : vector<16xi32> to vector<16xi32>
      %swap3A_53 = vector.shape_cast %select_n3A_49 : vector<16xi32> to vector<16xi32>
      tpu.vector_store %arg9[%swap3A_50], %swap3A_53 {strides = array<i32>} : memref<128xi32, #tpu.memory_space<vmem>>, vector<16xi32>,
      %get3A_54 = arith.constant 32 : index
      %get3A_55 = tpu.vector_load %arg8[%get3A_54] {strides = array<i32>} : memref<128xi32, #tpu.memory_space<vmem>>, vector<16xi32>,
      %get3A_56 = vector.shape_cast %get3A_55 : vector<16xi32> to vector<16xi32>
      %ge3A_57 = vector.broadcast %mul3A_0 : i32 to vector<16xi32>
      %ge3A_58 = arith.cmpi sge, %get3A_56, %ge3A_57 : vector<16xi32>
      %add3A_59 = arith.constant 5120 : i32
      %add3A_60 = arith.addi %mul3A_0, %add3A_59 : i32
      %lt3A_61 = vector.broadcast %add3A_60 : i32 to vector<16xi32>
      %lt3A_62 = arith.cmpi slt, %get3A_56, %lt3A_61 : vector<16xi32>
      %and3A_63 = arith.andi %ge3A_58, %lt3A_62 : vector<16xi1>
      %sub3A_64 = vector.broadcast %mul3A_0 : i32 to vector<16xi32>
      %sub3A_65 = arith.subi %get3A_56, %sub3A_64 : vector<16xi32>
      %jit3A_66 = arith.constant 5120 : i32
      %broadcast_in_dim3A_67 = vector.broadcast %jit3A_66 : i32 to vector<16xi32>
      %select_n3A_68 = arith.select %and3A_63, %sub3A_65, %broadcast_in_dim3A_67 : vector<16xi1>, vector<16xi32>
      %swap3A_69 = arith.constant 32 : index
      %swap3A_70 = tpu.vector_load %arg9[%swap3A_69] {strides = array<i32>} : memref<128xi32, #tpu.memory_space<vmem>>, vector<16xi32>,
      %swap3A_71 = vector.shape_cast %swap3A_70 : vector<16xi32> to vector<16xi32>
      %swap3A_72 = vector.shape_cast %select_n3A_68 : vector<16xi32> to vector<16xi32>
      tpu.vector_store %arg9[%swap3A_69], %swap3A_72 {strides = array<i32>} : memref<128xi32, #tpu.memory_space<vmem>>, vector<16xi32>,
      %get3A_73 = arith.constant 48 : index
      %get3A_74 = tpu.vector_load %arg8[%get3A_73] {strides = array<i32>} : memref<128xi32, #tpu.memory_space<vmem>>, vector<16xi32>,
      %get3A_75 = vector.shape_cast %get3A_74 : vector<16xi32> to vector<16xi32>
      %ge3A_76 = vector.broadcast %mul3A_0 : i32 to vector<16xi32>
      %ge3A_77 = arith.cmpi sge, %get3A_75, %ge3A_76 : vector<16xi32>
      %add3A_78 = arith.constant 5120 : i32
      %add3A_79 = arith.addi %mul3A_0, %add3A_78 : i32
      %lt3A_80 = vector.broadcast %add3A_79 : i32 to vector<16xi32>
      %lt3A_81 = arith.cmpi slt, %get3A_75, %lt3A_80 : vector<16xi32>
      %and3A_82 = arith.andi %ge3A_77, %lt3A_81 : vector<16xi1>
      %sub3A_83 = vector.broadcast %mul3A_0 : i32 to vector<16xi32>
      %sub3A_84 = arith.subi %get3A_75, %sub3A_83 : vector<16xi32>
      %jit3A_85 = arith.constant 5120 : i32
      %broadcast_in_dim3A_86 = vector.broadcast %jit3A_85 : i32 to vector<16xi32>
      %select_n3A_87 = arith.select %and3A_82, %sub3A_84, %broadcast_in_dim3A_86 : vector<16xi1>, vector<16xi32>
      %swap3A_88 = arith.constant 48 : index
      %swap3A_89 = tpu.vector_load %arg9[%swap3A_88] {strides = array<i32>} : memref<128xi32, #tpu.memory_space<vmem>>, vector<16xi32>,
      %swap3A_90 = vector.shape_cast %swap3A_89 : vector<16xi32> to vector<16xi32>
      %swap3A_91 = vector.shape_cast %select_n3A_87 : vector<16xi32> to vector<16xi32>
      tpu.vector_store %arg9[%swap3A_88], %swap3A_91 {strides = array<i32>} : memref<128xi32, #tpu.memory_space<vmem>>, vector<16xi32>,
      %get3A_92 = arith.constant 64 : index
      %get3A_93 = tpu.vector_load %arg8[%get3A_92] {strides = array<i32>} : memref<128xi32, #tpu.memory_space<vmem>>, vector<16xi32>,
      %get3A_94 = vector.shape_cast %get3A_93 : vector<16xi32> to vector<16xi32>
      %ge3A_95 = vector.broadcast %mul3A_0 : i32 to vector<16xi32>
      %ge3A_96 = arith.cmpi sge, %get3A_94, %ge3A_95 : vector<16xi32>
      %add3A_97 = arith.constant 5120 : i32
      %add3A_98 = arith.addi %mul3A_0, %add3A_97 : i32
      %lt3A_99 = vector.broadcast %add3A_98 : i32 to vector<16xi32>
      %lt3A_100 = arith.cmpi slt, %get3A_94, %lt3A_99 : vector<16xi32>
      %and3A_101 = arith.andi %ge3A_96, %lt3A_100 : vector<16xi1>
      %sub3A_102 = vector.broadcast %mul3A_0 : i32 to vector<16xi32>
      %sub3A_103 = arith.subi %get3A_94, %sub3A_102 : vector<16xi32>
      %jit3A_104 = arith.constant 5120 : i32
      %broadcast_in_dim3A_105 = vector.broadcast %jit3A_104 : i32 to vector<16xi32>
      %select_n3A_106 = arith.select %and3A_101, %sub3A_103, %broadcast_in_dim3A_105 : vector<16xi1>, vector<16xi32>
      %swap3A_107 = arith.constant 64 : index
      %swap3A_108 = tpu.vector_load %arg9[%swap3A_107] {strides = array<i32>} : memref<128xi32, #tpu.memory_space<vmem>>, vector<16xi32>,
      %swap3A_109 = vector.shape_cast %swap3A_108 : vector<16xi32> to vector<16xi32>
      %swap3A_110 = vector.shape_cast %select_n3A_106 : vector<16xi32> to vector<16xi32>
      tpu.vector_store %arg9[%swap3A_107], %swap3A_110 {strides = array<i32>} : memref<128xi32, #tpu.memory_space<vmem>>, vector<16xi32>,
      %get3A_111 = arith.constant 80 : index
      %get3A_112 = tpu.vector_load %arg8[%get3A_111] {strides = array<i32>} : memref<128xi32, #tpu.memory_space<vmem>>, vector<16xi32>,
      %get3A_113 = vector.shape_cast %get3A_112 : vector<16xi32> to vector<16xi32>
      %ge3A_114 = vector.broadcast %mul3A_0 : i32 to vector<16xi32>
      %ge3A_115 = arith.cmpi sge, %get3A_113, %ge3A_114 : vector<16xi32>
      %add3A_116 = arith.constant 5120 : i32
      %add3A_117 = arith.addi %mul3A_0, %add3A_116 : i32
      %lt3A_118 = vector.broadcast %add3A_117 : i32 to vector<16xi32>
      %lt3A_119 = arith.cmpi slt, %get3A_113, %lt3A_118 : vector<16xi32>
      %and3A_120 = arith.andi %ge3A_115, %lt3A_119 : vector<16xi1>
      %sub3A_121 = vector.broadcast %mul3A_0 : i32 to vector<16xi32>
      %sub3A_122 = arith.subi %get3A_113, %sub3A_121 : vector<16xi32>
      %jit3A_123 = arith.constant 5120 : i32
      %broadcast_in_dim3A_124 = vector.broadcast %jit3A_123 : i32 to vector<16xi32>
      %select_n3A_125 = arith.select %and3A_120, %sub3A_122, %broadcast_in_dim3A_124 : vector<16xi1>, vector<16xi32>
      %swap3A_126 = arith.constant 80 : index
      %swap3A_127 = tpu.vector_load %arg9[%swap3A_126] {strides = array<i32>} : memref<128xi32, #tpu.memory_space<vmem>>, vector<16xi32>,
      %swap3A_128 = vector.shape_cast %swap3A_127 : vector<16xi32> to vector<16xi32>
      %swap3A_129 = vector.shape_cast %select_n3A_125 : vector<16xi32> to vector<16xi32>
      tpu.vector_store %arg9[%swap3A_126], %swap3A_129 {strides = array<i32>} : memref<128xi32, #tpu.memory_space<vmem>>, vector<16xi32>,
      %get3A_130 = arith.constant 96 : index
      %get3A_131 = tpu.vector_load %arg8[%get3A_130] {strides = array<i32>} : memref<128xi32, #tpu.memory_space<vmem>>, vector<16xi32>,
      %get3A_132 = vector.shape_cast %get3A_131 : vector<16xi32> to vector<16xi32>
      %ge3A_133 = vector.broadcast %mul3A_0 : i32 to vector<16xi32>
      %ge3A_134 = arith.cmpi sge, %get3A_132, %ge3A_133 : vector<16xi32>
      %add3A_135 = arith.constant 5120 : i32
      %add3A_136 = arith.addi %mul3A_0, %add3A_135 : i32
      %lt3A_137 = vector.broadcast %add3A_136 : i32 to vector<16xi32>
      %lt3A_138 = arith.cmpi slt, %get3A_132, %lt3A_137 : vector<16xi32>
      %and3A_139 = arith.andi %ge3A_134, %lt3A_138 : vector<16xi1>
      %sub3A_140 = vector.broadcast %mul3A_0 : i32 to vector<16xi32>
      %sub3A_141 = arith.subi %get3A_132, %sub3A_140 : vector<16xi32>
      %jit3A_142 = arith.constant 5120 : i32
      %broadcast_in_dim3A_143 = vector.broadcast %jit3A_142 : i32 to vector<16xi32>
      %select_n3A_144 = arith.select %and3A_139, %sub3A_141, %broadcast_in_dim3A_143 : vector<16xi1>, vector<16xi32>
      %swap3A_145 = arith.constant 96 : index
      %swap3A_146 = tpu.vector_load %arg9[%swap3A_145] {strides = array<i32>} : memref<128xi32, #tpu.memory_space<vmem>>, vector<16xi32>,
      %swap3A_147 = vector.shape_cast %swap3A_146 : vector<16xi32> to vector<16xi32>
      %swap3A_148 = vector.shape_cast %select_n3A_144 : vector<16xi32> to vector<16xi32>
      tpu.vector_store %arg9[%swap3A_145], %swap3A_148 {strides = array<i32>} : memref<128xi32, #tpu.memory_space<vmem>>, vector<16xi32>,
      %get3A_149 = arith.constant 112 : index
      %get3A_150 = tpu.vector_load %arg8[%get3A_149] {strides = array<i32>} : memref<128xi32, #tpu.memory_space<vmem>>, vector<16xi32>,
      %get3A_151 = vector.shape_cast %get3A_150 : vector<16xi32> to vector<16xi32>
      %ge3A_152 = vector.broadcast %mul3A_0 : i32 to vector<16xi32>
      %ge3A_153 = arith.cmpi sge, %get3A_151, %ge3A_152 : vector<16xi32>
      %add3A_154 = arith.constant 5120 : i32
      %add3A_155 = arith.addi %mul3A_0, %add3A_154 : i32
      %lt3A_156 = vector.broadcast %add3A_155 : i32 to vector<16xi32>
      %lt3A_157 = arith.cmpi slt, %get3A_151, %lt3A_156 : vector<16xi32>
      %and3A_158 = arith.andi %ge3A_153, %lt3A_157 : vector<16xi1>
      %sub3A_159 = vector.broadcast %mul3A_0 : i32 to vector<16xi32>
      %sub3A_160 = arith.subi %get3A_151, %sub3A_159 : vector<16xi32>
      %jit3A_161 = arith.constant 5120 : i32
      %broadcast_in_dim3A_162 = vector.broadcast %jit3A_161 : i32 to vector<16xi32>
      %select_n3A_163 = arith.select %and3A_158, %sub3A_160, %broadcast_in_dim3A_162 : vector<16xi1>, vector<16xi32>
      %swap3A_164 = arith.constant 112 : index
      %swap3A_165 = tpu.vector_load %arg9[%swap3A_164] {strides = array<i32>} : memref<128xi32, #tpu.memory_space<vmem>>, vector<16xi32>,
      %swap3A_166 = vector.shape_cast %swap3A_165 : vector<16xi32> to vector<16xi32>
      %swap3A_167 = vector.shape_cast %select_n3A_163 : vector<16xi32> to vector<16xi32>
      tpu.vector_store %arg9[%swap3A_164], %swap3A_167 {strides = array<i32>} : memref<128xi32, #tpu.memory_space<vmem>>, vector<16xi32>,
      "tpu.region"() ({
        %run_scoped3A = tpu.sem_alloc : memref<!tpu.dma_semaphore, #tpu.memory_space<semaphore_mem>>
        %dma_start3A_169 = arith.constant 0 : i32
        %dma_start3A_170 = arith.constant 0 : i32
        %dma_start3A_171 = tpu.memref_slice %arg11[%dma_start3A_169, %dma_start3A_170] : memref<5128x128xf32, #tpu.memory_space<vmem_shared>> -> memref<5128x128xf32, #tpu.memory_space<vmem_shared>>
        tpu.enqueue_indirect_dma source(%arg10 : memref<128x128xf32, #tpu.memory_space<vmem>>) target(%dma_start3A_171 : memref<5128x128xf32, #tpu.memory_space<vmem_shared>>) offsets(%arg9 : memref<128xi32, #tpu.memory_space<vmem>>) semaphore(%run_scoped3A : memref<!tpu.dma_semaphore, #tpu.memory_space<semaphore_mem>>) {add = true}
        %dma_wait3A_172 = arith.constant 0 : i32
        %dma_wait3A_173 = arith.constant 0 : i32
        %dma_wait3A_174 = tpu.memref_slice %arg11[%dma_wait3A_172, %dma_wait3A_173] : memref<5128x128xf32, #tpu.memory_space<vmem_shared>> -> memref<5128x128xf32, #tpu.memory_space<vmem_shared>>
        tpu.wait_indirect_dma semaphore(%run_scoped3A : memref<!tpu.dma_semaphore, #tpu.memory_space<semaphore_mem>>) src(%arg10 : memref<128x128xf32, #tpu.memory_space<vmem>>) dst(%dma_wait3A_174 : memref<5128x128xf32, #tpu.memory_space<vmem_shared>>)
        tpu.yield
      }) : () -> ()
      %scan3A_168 = arith.constant 0 : i32
      scf.yield %scan3A_168 : i32
    }
    %scan3A_8 = arith.constant 157 : i32
    %barrier3A_9 = arith.constant 0 : index
    tpu.barrier barrier_id(%barrier3A_9)
    %eq3A_10 = arith.constant 0 : i32
    %eq3A_11 = arith.cmpi eq, %arg1, %eq3A_10 : i32
    %convert_element_type3A_12 = arith.extui %eq3A_11 : i1 to i32
    %cond3A_13 = arith.constant 0 : i32
    %cond3A_14 = arith.cmpi ne, %convert_element_type3A_12, %cond3A_13 : i32
    scf.if %cond3A_14 {
      "tpu.region"() ({
        %run_scoped3A = tpu.sem_alloc : memref<!tpu.dma_semaphore, #tpu.memory_space<semaphore_mem>>
        %dma_start3A = arith.constant 0 : i32
        %dma_start3A_15 = arith.constant 0 : i32
        %dma_start3A_16 = tpu.memref_slice %arg6[%arg0, %dma_start3A, %dma_start3A_15] : memref<2x5128x128xf32, #tpu.memory_space<hbm>> -> memref<1x5128x128xf32, #tpu.memory_space<hbm>>
        %dma_start3A_17 = tpu.memref_squeeze %dma_start3A_16 : memref<1x5128x128xf32, #tpu.memory_space<hbm>> -> memref<5128x128xf32, #tpu.memory_space<hbm>>
        tpu.enqueue_dma source(%arg11 : memref<5128x128xf32, #tpu.memory_space<vmem_shared>>) target(%dma_start3A_17 : memref<5128x128xf32, #tpu.memory_space<hbm>>) target_semaphore(%run_scoped3A : memref<!tpu.dma_semaphore, #tpu.memory_space<semaphore_mem>>)
        %dma_wait3A = arith.constant 0 : i32
        %dma_wait3A_18 = arith.constant 0 : i32
        %dma_wait3A_19 = tpu.memref_slice %arg6[%arg0, %dma_wait3A, %dma_wait3A_18] : memref<2x5128x128xf32, #tpu.memory_space<hbm>> -> memref<1x5128x128xf32, #tpu.memory_space<hbm>>
        %dma_wait3A_20 = tpu.memref_squeeze %dma_wait3A_19 : memref<1x5128x128xf32, #tpu.memory_space<hbm>> -> memref<5128x128xf32, #tpu.memory_space<hbm>>
        tpu.wait_dma2 semaphore(%run_scoped3A : memref<!tpu.dma_semaphore, #tpu.memory_space<semaphore_mem>>) src(%arg11 : memref<5128x128xf32, #tpu.memory_space<vmem_shared>>) dst(%dma_wait3A_20 : memref<5128x128xf32, #tpu.memory_space<hbm>>)
        tpu.yield
      }) : () -> ()
    } else {
    }
    return
  }
}

#map = affine_map<(d0, d1) -> (0)>
#map1 = affine_map<(d0, d1) -> (0, 0)>
#map2 = affine_map<(d0, d1) -> (0, 0, 0)>
module attributes {stable_mosaic.version = 14 : i64} {
  func.func @body(%arg0: i32, %arg1: i32, %arg2: memref<321536xi32, #tpu.memory_space<hbm>>, %arg3: memref<5128x128xf32, #tpu.memory_space<hbm>>, %arg4: memref<2x5128x128xf32, #tpu.memory_space<hbm>>, %arg5: memref<128xi32, #tpu.memory_space<vmem>>, %arg6: memref<128xi32, #tpu.memory_space<vmem>>, %arg7: memref<128x128xf32, #tpu.memory_space<vmem>>, %arg8: memref<5128x128xf32, #tpu.memory_space<vmem_shared>>) attributes {dimension_semantics = [#tpu.dimension_semantics<core_parallel>, #tpu.dimension_semantics<subcore_parallel>], iteration_bounds = array<i64: 2, 16>, scalar_prefetch = 0 : i64, scratch_operands = 4 : i64, tpu.core_type = #tpu.core_type<sc_vector_subcore>, window_params = [{transform_indices = #map}, {transform_indices = #map1}, {transform_indices = #map2}]} {
    %mul3A = arith.constant 5120 : i32
    %mul3A_0 = arith.muli %arg0, %mul3A : i32
    %broadcast_in_dim3A = arith.constant 1.000000e+00 : f32
    %broadcast_in_dim3A_1 = vector.broadcast %broadcast_in_dim3A : f32 to vector<16xf32>
    %scan3A = arith.constant 0 : i32
    %scan3A_2 = arith.constant 0 : i32
    %scan3A_3 = arith.constant 128 : i32
    %scan3A_4 = arith.addi %scan3A_2, %scan3A_3 : i32
    %scan3A_5 = arith.constant 1 : i32
    %scan3A_6 = scf.for %scan3A_23 = %scan3A_2 to %scan3A_4 step %scan3A_5 iter_args(%scan3A_24 = %scan3A) -> (i32)  : i32 {
      %swap3A = arith.index_cast %scan3A_23 : i32 to index
      %swap3A_25 = arith.constant 0 : index
      %swap3A_26 = tpu.vector_load %arg7[%swap3A, %swap3A_25] {strides = array<i32>} : memref<128x128xf32, #tpu.memory_space<vmem>>, vector<1x16xf32>,
      %swap3A_27 = vector.shape_cast %swap3A_26 : vector<1x16xf32> to vector<16xf32>
      %swap3A_28 = vector.shape_cast %broadcast_in_dim3A_1 : vector<16xf32> to vector<1x16xf32>
      tpu.vector_store %arg7[%swap3A, %swap3A_25], %swap3A_28 {strides = array<i32>} : memref<128x128xf32, #tpu.memory_space<vmem>>, vector<1x16xf32>,
      %swap3A_29 = arith.index_cast %scan3A_23 : i32 to index
      %swap3A_30 = arith.constant 16 : index
      %swap3A_31 = tpu.vector_load %arg7[%swap3A_29, %swap3A_30] {strides = array<i32>} : memref<128x128xf32, #tpu.memory_space<vmem>>, vector<1x16xf32>,
      %swap3A_32 = vector.shape_cast %swap3A_31 : vector<1x16xf32> to vector<16xf32>
      %swap3A_33 = vector.shape_cast %broadcast_in_dim3A_1 : vector<16xf32> to vector<1x16xf32>
      tpu.vector_store %arg7[%swap3A_29, %swap3A_30], %swap3A_33 {strides = array<i32>} : memref<128x128xf32, #tpu.memory_space<vmem>>, vector<1x16xf32>,
      %swap3A_34 = arith.index_cast %scan3A_23 : i32 to index
      %swap3A_35 = arith.constant 32 : index
      %swap3A_36 = tpu.vector_load %arg7[%swap3A_34, %swap3A_35] {strides = array<i32>} : memref<128x128xf32, #tpu.memory_space<vmem>>, vector<1x16xf32>,
      %swap3A_37 = vector.shape_cast %swap3A_36 : vector<1x16xf32> to vector<16xf32>
      %swap3A_38 = vector.shape_cast %broadcast_in_dim3A_1 : vector<16xf32> to vector<1x16xf32>
      tpu.vector_store %arg7[%swap3A_34, %swap3A_35], %swap3A_38 {strides = array<i32>} : memref<128x128xf32, #tpu.memory_space<vmem>>, vector<1x16xf32>,
      %swap3A_39 = arith.index_cast %scan3A_23 : i32 to index
      %swap3A_40 = arith.constant 48 : index
      %swap3A_41 = tpu.vector_load %arg7[%swap3A_39, %swap3A_40] {strides = array<i32>} : memref<128x128xf32, #tpu.memory_space<vmem>>, vector<1x16xf32>,
      %swap3A_42 = vector.shape_cast %swap3A_41 : vector<1x16xf32> to vector<16xf32>
      %swap3A_43 = vector.shape_cast %broadcast_in_dim3A_1 : vector<16xf32> to vector<1x16xf32>
      tpu.vector_store %arg7[%swap3A_39, %swap3A_40], %swap3A_43 {strides = array<i32>} : memref<128x128xf32, #tpu.memory_space<vmem>>, vector<1x16xf32>,
      %swap3A_44 = arith.index_cast %scan3A_23 : i32 to index
      %swap3A_45 = arith.constant 64 : index
      %swap3A_46 = tpu.vector_load %arg7[%swap3A_44, %swap3A_45] {strides = array<i32>} : memref<128x128xf32, #tpu.memory_space<vmem>>, vector<1x16xf32>,
      %swap3A_47 = vector.shape_cast %swap3A_46 : vector<1x16xf32> to vector<16xf32>
      %swap3A_48 = vector.shape_cast %broadcast_in_dim3A_1 : vector<16xf32> to vector<1x16xf32>
      tpu.vector_store %arg7[%swap3A_44, %swap3A_45], %swap3A_48 {strides = array<i32>} : memref<128x128xf32, #tpu.memory_space<vmem>>, vector<1x16xf32>,
      %swap3A_49 = arith.index_cast %scan3A_23 : i32 to index
      %swap3A_50 = arith.constant 80 : index
      %swap3A_51 = tpu.vector_load %arg7[%swap3A_49, %swap3A_50] {strides = array<i32>} : memref<128x128xf32, #tpu.memory_space<vmem>>, vector<1x16xf32>,
      %swap3A_52 = vector.shape_cast %swap3A_51 : vector<1x16xf32> to vector<16xf32>
      %swap3A_53 = vector.shape_cast %broadcast_in_dim3A_1 : vector<16xf32> to vector<1x16xf32>
      tpu.vector_store %arg7[%swap3A_49, %swap3A_50], %swap3A_53 {strides = array<i32>} : memref<128x128xf32, #tpu.memory_space<vmem>>, vector<1x16xf32>,
      %swap3A_54 = arith.index_cast %scan3A_23 : i32 to index
      %swap3A_55 = arith.constant 96 : index
      %swap3A_56 = tpu.vector_load %arg7[%swap3A_54, %swap3A_55] {strides = array<i32>} : memref<128x128xf32, #tpu.memory_space<vmem>>, vector<1x16xf32>,
      %swap3A_57 = vector.shape_cast %swap3A_56 : vector<1x16xf32> to vector<16xf32>
      %swap3A_58 = vector.shape_cast %broadcast_in_dim3A_1 : vector<16xf32> to vector<1x16xf32>
      tpu.vector_store %arg7[%swap3A_54, %swap3A_55], %swap3A_58 {strides = array<i32>} : memref<128x128xf32, #tpu.memory_space<vmem>>, vector<1x16xf32>,
      %swap3A_59 = arith.index_cast %scan3A_23 : i32 to index
      %swap3A_60 = arith.constant 112 : index
      %swap3A_61 = tpu.vector_load %arg7[%swap3A_59, %swap3A_60] {strides = array<i32>} : memref<128x128xf32, #tpu.memory_space<vmem>>, vector<1x16xf32>,
      %swap3A_62 = vector.shape_cast %swap3A_61 : vector<1x16xf32> to vector<16xf32>
      %swap3A_63 = vector.shape_cast %broadcast_in_dim3A_1 : vector<16xf32> to vector<1x16xf32>
      tpu.vector_store %arg7[%swap3A_59, %swap3A_60], %swap3A_63 {strides = array<i32>} : memref<128x128xf32, #tpu.memory_space<vmem>>, vector<1x16xf32>,
      %scan3A_64 = arith.constant 0 : i32
      scf.yield %scan3A_64 : i32
    }
    %scan3A_7 = arith.constant 128 : i32
    %eq3A = arith.constant 0 : i32
    %eq3A_8 = arith.cmpi eq, %arg1, %eq3A : i32
    %convert_element_type3A = arith.extui %eq3A_8 : i1 to i32
    %cond3A = arith.constant 0 : i32
    %cond3A_9 = arith.cmpi ne, %convert_element_type3A, %cond3A : i32
    scf.if %cond3A_9 {
      "tpu.region"() ({
        %run_scoped3A = tpu.sem_alloc : memref<!tpu.dma_semaphore, #tpu.memory_space<semaphore_mem>>
        tpu.enqueue_dma source(%arg3 : memref<5128x128xf32, #tpu.memory_space<hbm>>) target(%arg8 : memref<5128x128xf32, #tpu.memory_space<vmem_shared>>) target_semaphore(%run_scoped3A : memref<!tpu.dma_semaphore, #tpu.memory_space<semaphore_mem>>)
        tpu.wait_dma2 semaphore(%run_scoped3A : memref<!tpu.dma_semaphore, #tpu.memory_space<semaphore_mem>>) src(%arg3 : memref<5128x128xf32, #tpu.memory_space<hbm>>) dst(%arg8 : memref<5128x128xf32, #tpu.memory_space<vmem_shared>>)
        tpu.yield
      }) : () -> ()
    } else {
    }
    %barrier3A = arith.constant 0 : index
    tpu.barrier barrier_id(%barrier3A)
    %scan3A_10 = arith.constant 0 : i32
    %scan3A_11 = arith.constant 0 : i32
    %scan3A_12 = arith.constant 157 : i32
    %scan3A_13 = arith.addi %scan3A_11, %scan3A_12 : i32
    %scan3A_14 = arith.constant 1 : i32
    %scan3A_15 = scf.for %scan3A_23 = %scan3A_11 to %scan3A_13 step %scan3A_14 iter_args(%scan3A_24 = %scan3A_10) -> (i32)  : i32 {
      %mul3A_25 = arith.constant 157 : i32
      %mul3A_26 = arith.muli %arg1, %mul3A_25 : i32
      %add3A = arith.addi %mul3A_26, %scan3A_23 : i32
      %mul3A_27 = arith.constant 128 : i32
      %mul3A_28 = arith.muli %add3A, %mul3A_27 : i32
      "tpu.region"() ({
        %run_scoped3A = tpu.sem_alloc : memref<!tpu.dma_semaphore, #tpu.memory_space<semaphore_mem>>
        %dma_start3A = tpu.memref_slice %arg2[%mul3A_28] : memref<321536xi32, #tpu.memory_space<hbm>> -> memref<128xi32, #tpu.memory_space<hbm>>
        %dma_start3A_174 = tpu.memref_slice %arg2[%mul3A_28] : memref<321536xi32, #tpu.memory_space<hbm>> -> memref<128xi32, #tpu.memory_space<hbm>>
        tpu.enqueue_dma source(%dma_start3A_174 : memref<128xi32, #tpu.memory_space<hbm>>) target(%arg5 : memref<128xi32, #tpu.memory_space<vmem>>) target_semaphore(%run_scoped3A : memref<!tpu.dma_semaphore, #tpu.memory_space<semaphore_mem>>)
        %dma_wait3A = tpu.memref_slice %arg2[%mul3A_28] : memref<321536xi32, #tpu.memory_space<hbm>> -> memref<128xi32, #tpu.memory_space<hbm>>
        %dma_wait3A_175 = tpu.memref_slice %arg2[%mul3A_28] : memref<321536xi32, #tpu.memory_space<hbm>> -> memref<128xi32, #tpu.memory_space<hbm>>
        tpu.wait_dma2 semaphore(%run_scoped3A : memref<!tpu.dma_semaphore, #tpu.memory_space<semaphore_mem>>) src(%dma_wait3A_175 : memref<128xi32, #tpu.memory_space<hbm>>) dst(%arg5 : memref<128xi32, #tpu.memory_space<vmem>>)
        tpu.yield
      }) : () -> ()
      %get3A = arith.constant 0 : index
      %get3A_29 = tpu.vector_load %arg5[%get3A] {strides = array<i32>} : memref<128xi32, #tpu.memory_space<vmem>>, vector<16xi32>,
      %get3A_30 = vector.shape_cast %get3A_29 : vector<16xi32> to vector<16xi32>
      %ge3A = vector.broadcast %mul3A_0 : i32 to vector<16xi32>
      %ge3A_31 = arith.cmpi sge, %get3A_30, %ge3A : vector<16xi32>
      %add3A_32 = arith.constant 5120 : i32
      %add3A_33 = arith.addi %mul3A_0, %add3A_32 : i32
      %lt3A = vector.broadcast %add3A_33 : i32 to vector<16xi32>
      %lt3A_34 = arith.cmpi slt, %get3A_30, %lt3A : vector<16xi32>
      %and3A = arith.andi %ge3A_31, %lt3A_34 : vector<16xi1>
      %sub3A = vector.broadcast %mul3A_0 : i32 to vector<16xi32>
      %sub3A_35 = arith.subi %get3A_30, %sub3A : vector<16xi32>
      %jit3A = arith.constant 5120 : i32
      %broadcast_in_dim3A_36 = vector.broadcast %jit3A : i32 to vector<16xi32>
      %select_n3A = arith.select %and3A, %sub3A_35, %broadcast_in_dim3A_36 : vector<16xi1>, vector<16xi32>
      %swap3A = arith.constant 0 : index
      %swap3A_37 = tpu.vector_load %arg6[%swap3A] {strides = array<i32>} : memref<128xi32, #tpu.memory_space<vmem>>, vector<16xi32>,
      %swap3A_38 = vector.shape_cast %swap3A_37 : vector<16xi32> to vector<16xi32>
      %swap3A_39 = vector.shape_cast %select_n3A : vector<16xi32> to vector<16xi32>
      tpu.vector_store %arg6[%swap3A], %swap3A_39 {strides = array<i32>} : memref<128xi32, #tpu.memory_space<vmem>>, vector<16xi32>,
      %get3A_40 = arith.constant 16 : index
      %get3A_41 = tpu.vector_load %arg5[%get3A_40] {strides = array<i32>} : memref<128xi32, #tpu.memory_space<vmem>>, vector<16xi32>,
      %get3A_42 = vector.shape_cast %get3A_41 : vector<16xi32> to vector<16xi32>
      %ge3A_43 = vector.broadcast %mul3A_0 : i32 to vector<16xi32>
      %ge3A_44 = arith.cmpi sge, %get3A_42, %ge3A_43 : vector<16xi32>
      %add3A_45 = arith.constant 5120 : i32
      %add3A_46 = arith.addi %mul3A_0, %add3A_45 : i32
      %lt3A_47 = vector.broadcast %add3A_46 : i32 to vector<16xi32>
      %lt3A_48 = arith.cmpi slt, %get3A_42, %lt3A_47 : vector<16xi32>
      %and3A_49 = arith.andi %ge3A_44, %lt3A_48 : vector<16xi1>
      %sub3A_50 = vector.broadcast %mul3A_0 : i32 to vector<16xi32>
      %sub3A_51 = arith.subi %get3A_42, %sub3A_50 : vector<16xi32>
      %jit3A_52 = arith.constant 5120 : i32
      %broadcast_in_dim3A_53 = vector.broadcast %jit3A_52 : i32 to vector<16xi32>
      %select_n3A_54 = arith.select %and3A_49, %sub3A_51, %broadcast_in_dim3A_53 : vector<16xi1>, vector<16xi32>
      %swap3A_55 = arith.constant 16 : index
      %swap3A_56 = tpu.vector_load %arg6[%swap3A_55] {strides = array<i32>} : memref<128xi32, #tpu.memory_space<vmem>>, vector<16xi32>,
      %swap3A_57 = vector.shape_cast %swap3A_56 : vector<16xi32> to vector<16xi32>
      %swap3A_58 = vector.shape_cast %select_n3A_54 : vector<16xi32> to vector<16xi32>
      tpu.vector_store %arg6[%swap3A_55], %swap3A_58 {strides = array<i32>} : memref<128xi32, #tpu.memory_space<vmem>>, vector<16xi32>,
      %get3A_59 = arith.constant 32 : index
      %get3A_60 = tpu.vector_load %arg5[%get3A_59] {strides = array<i32>} : memref<128xi32, #tpu.memory_space<vmem>>, vector<16xi32>,
      %get3A_61 = vector.shape_cast %get3A_60 : vector<16xi32> to vector<16xi32>
      %ge3A_62 = vector.broadcast %mul3A_0 : i32 to vector<16xi32>
      %ge3A_63 = arith.cmpi sge, %get3A_61, %ge3A_62 : vector<16xi32>
      %add3A_64 = arith.constant 5120 : i32
      %add3A_65 = arith.addi %mul3A_0, %add3A_64 : i32
      %lt3A_66 = vector.broadcast %add3A_65 : i32 to vector<16xi32>
      %lt3A_67 = arith.cmpi slt, %get3A_61, %lt3A_66 : vector<16xi32>
      %and3A_68 = arith.andi %ge3A_63, %lt3A_67 : vector<16xi1>
      %sub3A_69 = vector.broadcast %mul3A_0 : i32 to vector<16xi32>
      %sub3A_70 = arith.subi %get3A_61, %sub3A_69 : vector<16xi32>
      %jit3A_71 = arith.constant 5120 : i32
      %broadcast_in_dim3A_72 = vector.broadcast %jit3A_71 : i32 to vector<16xi32>
      %select_n3A_73 = arith.select %and3A_68, %sub3A_70, %broadcast_in_dim3A_72 : vector<16xi1>, vector<16xi32>
      %swap3A_74 = arith.constant 32 : index
      %swap3A_75 = tpu.vector_load %arg6[%swap3A_74] {strides = array<i32>} : memref<128xi32, #tpu.memory_space<vmem>>, vector<16xi32>,
      %swap3A_76 = vector.shape_cast %swap3A_75 : vector<16xi32> to vector<16xi32>
      %swap3A_77 = vector.shape_cast %select_n3A_73 : vector<16xi32> to vector<16xi32>
      tpu.vector_store %arg6[%swap3A_74], %swap3A_77 {strides = array<i32>} : memref<128xi32, #tpu.memory_space<vmem>>, vector<16xi32>,
      %get3A_78 = arith.constant 48 : index
      %get3A_79 = tpu.vector_load %arg5[%get3A_78] {strides = array<i32>} : memref<128xi32, #tpu.memory_space<vmem>>, vector<16xi32>,
      %get3A_80 = vector.shape_cast %get3A_79 : vector<16xi32> to vector<16xi32>
      %ge3A_81 = vector.broadcast %mul3A_0 : i32 to vector<16xi32>
      %ge3A_82 = arith.cmpi sge, %get3A_80, %ge3A_81 : vector<16xi32>
      %add3A_83 = arith.constant 5120 : i32
      %add3A_84 = arith.addi %mul3A_0, %add3A_83 : i32
      %lt3A_85 = vector.broadcast %add3A_84 : i32 to vector<16xi32>
      %lt3A_86 = arith.cmpi slt, %get3A_80, %lt3A_85 : vector<16xi32>
      %and3A_87 = arith.andi %ge3A_82, %lt3A_86 : vector<16xi1>
      %sub3A_88 = vector.broadcast %mul3A_0 : i32 to vector<16xi32>
      %sub3A_89 = arith.subi %get3A_80, %sub3A_88 : vector<16xi32>
      %jit3A_90 = arith.constant 5120 : i32
      %broadcast_in_dim3A_91 = vector.broadcast %jit3A_90 : i32 to vector<16xi32>
      %select_n3A_92 = arith.select %and3A_87, %sub3A_89, %broadcast_in_dim3A_91 : vector<16xi1>, vector<16xi32>
      %swap3A_93 = arith.constant 48 : index
      %swap3A_94 = tpu.vector_load %arg6[%swap3A_93] {strides = array<i32>} : memref<128xi32, #tpu.memory_space<vmem>>, vector<16xi32>,
      %swap3A_95 = vector.shape_cast %swap3A_94 : vector<16xi32> to vector<16xi32>
      %swap3A_96 = vector.shape_cast %select_n3A_92 : vector<16xi32> to vector<16xi32>
      tpu.vector_store %arg6[%swap3A_93], %swap3A_96 {strides = array<i32>} : memref<128xi32, #tpu.memory_space<vmem>>, vector<16xi32>,
      %get3A_97 = arith.constant 64 : index
      %get3A_98 = tpu.vector_load %arg5[%get3A_97] {strides = array<i32>} : memref<128xi32, #tpu.memory_space<vmem>>, vector<16xi32>,
      %get3A_99 = vector.shape_cast %get3A_98 : vector<16xi32> to vector<16xi32>
      %ge3A_100 = vector.broadcast %mul3A_0 : i32 to vector<16xi32>
      %ge3A_101 = arith.cmpi sge, %get3A_99, %ge3A_100 : vector<16xi32>
      %add3A_102 = arith.constant 5120 : i32
      %add3A_103 = arith.addi %mul3A_0, %add3A_102 : i32
      %lt3A_104 = vector.broadcast %add3A_103 : i32 to vector<16xi32>
      %lt3A_105 = arith.cmpi slt, %get3A_99, %lt3A_104 : vector<16xi32>
      %and3A_106 = arith.andi %ge3A_101, %lt3A_105 : vector<16xi1>
      %sub3A_107 = vector.broadcast %mul3A_0 : i32 to vector<16xi32>
      %sub3A_108 = arith.subi %get3A_99, %sub3A_107 : vector<16xi32>
      %jit3A_109 = arith.constant 5120 : i32
      %broadcast_in_dim3A_110 = vector.broadcast %jit3A_109 : i32 to vector<16xi32>
      %select_n3A_111 = arith.select %and3A_106, %sub3A_108, %broadcast_in_dim3A_110 : vector<16xi1>, vector<16xi32>
      %swap3A_112 = arith.constant 64 : index
      %swap3A_113 = tpu.vector_load %arg6[%swap3A_112] {strides = array<i32>} : memref<128xi32, #tpu.memory_space<vmem>>, vector<16xi32>,
      %swap3A_114 = vector.shape_cast %swap3A_113 : vector<16xi32> to vector<16xi32>
      %swap3A_115 = vector.shape_cast %select_n3A_111 : vector<16xi32> to vector<16xi32>
      tpu.vector_store %arg6[%swap3A_112], %swap3A_115 {strides = array<i32>} : memref<128xi32, #tpu.memory_space<vmem>>, vector<16xi32>,
      %get3A_116 = arith.constant 80 : index
      %get3A_117 = tpu.vector_load %arg5[%get3A_116] {strides = array<i32>} : memref<128xi32, #tpu.memory_space<vmem>>, vector<16xi32>,
      %get3A_118 = vector.shape_cast %get3A_117 : vector<16xi32> to vector<16xi32>
      %ge3A_119 = vector.broadcast %mul3A_0 : i32 to vector<16xi32>
      %ge3A_120 = arith.cmpi sge, %get3A_118, %ge3A_119 : vector<16xi32>
      %add3A_121 = arith.constant 5120 : i32
      %add3A_122 = arith.addi %mul3A_0, %add3A_121 : i32
      %lt3A_123 = vector.broadcast %add3A_122 : i32 to vector<16xi32>
      %lt3A_124 = arith.cmpi slt, %get3A_118, %lt3A_123 : vector<16xi32>
      %and3A_125 = arith.andi %ge3A_120, %lt3A_124 : vector<16xi1>
      %sub3A_126 = vector.broadcast %mul3A_0 : i32 to vector<16xi32>
      %sub3A_127 = arith.subi %get3A_118, %sub3A_126 : vector<16xi32>
      %jit3A_128 = arith.constant 5120 : i32
      %broadcast_in_dim3A_129 = vector.broadcast %jit3A_128 : i32 to vector<16xi32>
      %select_n3A_130 = arith.select %and3A_125, %sub3A_127, %broadcast_in_dim3A_129 : vector<16xi1>, vector<16xi32>
      %swap3A_131 = arith.constant 80 : index
      %swap3A_132 = tpu.vector_load %arg6[%swap3A_131] {strides = array<i32>} : memref<128xi32, #tpu.memory_space<vmem>>, vector<16xi32>,
      %swap3A_133 = vector.shape_cast %swap3A_132 : vector<16xi32> to vector<16xi32>
      %swap3A_134 = vector.shape_cast %select_n3A_130 : vector<16xi32> to vector<16xi32>
      tpu.vector_store %arg6[%swap3A_131], %swap3A_134 {strides = array<i32>} : memref<128xi32, #tpu.memory_space<vmem>>, vector<16xi32>,
      %get3A_135 = arith.constant 96 : index
      %get3A_136 = tpu.vector_load %arg5[%get3A_135] {strides = array<i32>} : memref<128xi32, #tpu.memory_space<vmem>>, vector<16xi32>,
      %get3A_137 = vector.shape_cast %get3A_136 : vector<16xi32> to vector<16xi32>
      %ge3A_138 = vector.broadcast %mul3A_0 : i32 to vector<16xi32>
      %ge3A_139 = arith.cmpi sge, %get3A_137, %ge3A_138 : vector<16xi32>
      %add3A_140 = arith.constant 5120 : i32
      %add3A_141 = arith.addi %mul3A_0, %add3A_140 : i32
      %lt3A_142 = vector.broadcast %add3A_141 : i32 to vector<16xi32>
      %lt3A_143 = arith.cmpi slt, %get3A_137, %lt3A_142 : vector<16xi32>
      %and3A_144 = arith.andi %ge3A_139, %lt3A_143 : vector<16xi1>
      %sub3A_145 = vector.broadcast %mul3A_0 : i32 to vector<16xi32>
      %sub3A_146 = arith.subi %get3A_137, %sub3A_145 : vector<16xi32>
      %jit3A_147 = arith.constant 5120 : i32
      %broadcast_in_dim3A_148 = vector.broadcast %jit3A_147 : i32 to vector<16xi32>
      %select_n3A_149 = arith.select %and3A_144, %sub3A_146, %broadcast_in_dim3A_148 : vector<16xi1>, vector<16xi32>
      %swap3A_150 = arith.constant 96 : index
      %swap3A_151 = tpu.vector_load %arg6[%swap3A_150] {strides = array<i32>} : memref<128xi32, #tpu.memory_space<vmem>>, vector<16xi32>,
      %swap3A_152 = vector.shape_cast %swap3A_151 : vector<16xi32> to vector<16xi32>
      %swap3A_153 = vector.shape_cast %select_n3A_149 : vector<16xi32> to vector<16xi32>
      tpu.vector_store %arg6[%swap3A_150], %swap3A_153 {strides = array<i32>} : memref<128xi32, #tpu.memory_space<vmem>>, vector<16xi32>,
      %get3A_154 = arith.constant 112 : index
      %get3A_155 = tpu.vector_load %arg5[%get3A_154] {strides = array<i32>} : memref<128xi32, #tpu.memory_space<vmem>>, vector<16xi32>,
      %get3A_156 = vector.shape_cast %get3A_155 : vector<16xi32> to vector<16xi32>
      %ge3A_157 = vector.broadcast %mul3A_0 : i32 to vector<16xi32>
      %ge3A_158 = arith.cmpi sge, %get3A_156, %ge3A_157 : vector<16xi32>
      %add3A_159 = arith.constant 5120 : i32
      %add3A_160 = arith.addi %mul3A_0, %add3A_159 : i32
      %lt3A_161 = vector.broadcast %add3A_160 : i32 to vector<16xi32>
      %lt3A_162 = arith.cmpi slt, %get3A_156, %lt3A_161 : vector<16xi32>
      %and3A_163 = arith.andi %ge3A_158, %lt3A_162 : vector<16xi1>
      %sub3A_164 = vector.broadcast %mul3A_0 : i32 to vector<16xi32>
      %sub3A_165 = arith.subi %get3A_156, %sub3A_164 : vector<16xi32>
      %jit3A_166 = arith.constant 5120 : i32
      %broadcast_in_dim3A_167 = vector.broadcast %jit3A_166 : i32 to vector<16xi32>
      %select_n3A_168 = arith.select %and3A_163, %sub3A_165, %broadcast_in_dim3A_167 : vector<16xi1>, vector<16xi32>
      %swap3A_169 = arith.constant 112 : index
      %swap3A_170 = tpu.vector_load %arg6[%swap3A_169] {strides = array<i32>} : memref<128xi32, #tpu.memory_space<vmem>>, vector<16xi32>,
      %swap3A_171 = vector.shape_cast %swap3A_170 : vector<16xi32> to vector<16xi32>
      %swap3A_172 = vector.shape_cast %select_n3A_168 : vector<16xi32> to vector<16xi32>
      tpu.vector_store %arg6[%swap3A_169], %swap3A_172 {strides = array<i32>} : memref<128xi32, #tpu.memory_space<vmem>>, vector<16xi32>,
      "tpu.region"() ({
        %run_scoped3A = tpu.sem_alloc : memref<!tpu.dma_semaphore, #tpu.memory_space<semaphore_mem>>
        %dma_start3A = arith.constant 0 : i32
        %dma_start3A_174 = arith.constant 0 : i32
        %dma_start3A_175 = tpu.memref_slice %arg8[%dma_start3A, %dma_start3A_174] : memref<5128x128xf32, #tpu.memory_space<vmem_shared>> -> memref<5128x128xf32, #tpu.memory_space<vmem_shared>>
        tpu.enqueue_indirect_dma source(%arg7 : memref<128x128xf32, #tpu.memory_space<vmem>>) target(%dma_start3A_175 : memref<5128x128xf32, #tpu.memory_space<vmem_shared>>) offsets(%arg6 : memref<128xi32, #tpu.memory_space<vmem>>) semaphore(%run_scoped3A : memref<!tpu.dma_semaphore, #tpu.memory_space<semaphore_mem>>) {add = true}
        %dma_wait3A = arith.constant 0 : i32
        %dma_wait3A_176 = arith.constant 0 : i32
        %dma_wait3A_177 = tpu.memref_slice %arg8[%dma_wait3A, %dma_wait3A_176] : memref<5128x128xf32, #tpu.memory_space<vmem_shared>> -> memref<5128x128xf32, #tpu.memory_space<vmem_shared>>
        tpu.wait_indirect_dma semaphore(%run_scoped3A : memref<!tpu.dma_semaphore, #tpu.memory_space<semaphore_mem>>) src(%arg7 : memref<128x128xf32, #tpu.memory_space<vmem>>) dst(%dma_wait3A_177 : memref<5128x128xf32, #tpu.memory_space<vmem_shared>>)
        tpu.yield
      }) : () -> ()
      %scan3A_173 = arith.constant 0 : i32
      scf.yield %scan3A_173 : i32
    }
    %scan3A_16 = arith.constant 157 : i32
    %barrier3A_17 = arith.constant 0 : index
    tpu.barrier barrier_id(%barrier3A_17)
    %eq3A_18 = arith.constant 0 : i32
    %eq3A_19 = arith.cmpi eq, %arg1, %eq3A_18 : i32
    %convert_element_type3A_20 = arith.extui %eq3A_19 : i1 to i32
    %cond3A_21 = arith.constant 0 : i32
    %cond3A_22 = arith.cmpi ne, %convert_element_type3A_20, %cond3A_21 : i32
    scf.if %cond3A_22 {
      "tpu.region"() ({
        %run_scoped3A = tpu.sem_alloc : memref<!tpu.dma_semaphore, #tpu.memory_space<semaphore_mem>>
        %dma_start3A = arith.constant 0 : i32
        %dma_start3A_23 = arith.constant 0 : i32
        %dma_start3A_24 = tpu.memref_slice %arg4[%arg0, %dma_start3A, %dma_start3A_23] : memref<2x5128x128xf32, #tpu.memory_space<hbm>> -> memref<1x5128x128xf32, #tpu.memory_space<hbm>>
        %dma_start3A_25 = tpu.memref_squeeze %dma_start3A_24 : memref<1x5128x128xf32, #tpu.memory_space<hbm>> -> memref<5128x128xf32, #tpu.memory_space<hbm>>
        tpu.enqueue_dma source(%arg8 : memref<5128x128xf32, #tpu.memory_space<vmem_shared>>) target(%dma_start3A_25 : memref<5128x128xf32, #tpu.memory_space<hbm>>) target_semaphore(%run_scoped3A : memref<!tpu.dma_semaphore, #tpu.memory_space<semaphore_mem>>)
        %dma_wait3A = arith.constant 0 : i32
        %dma_wait3A_26 = arith.constant 0 : i32
        %dma_wait3A_27 = tpu.memref_slice %arg4[%arg0, %dma_wait3A, %dma_wait3A_26] : memref<2x5128x128xf32, #tpu.memory_space<hbm>> -> memref<1x5128x128xf32, #tpu.memory_space<hbm>>
        %dma_wait3A_28 = tpu.memref_squeeze %dma_wait3A_27 : memref<1x5128x128xf32, #tpu.memory_space<hbm>> -> memref<5128x128xf32, #tpu.memory_space<hbm>>
        tpu.wait_dma2 semaphore(%run_scoped3A : memref<!tpu.dma_semaphore, #tpu.memory_space<semaphore_mem>>) src(%arg8 : memref<5128x128xf32, #tpu.memory_space<vmem_shared>>) dst(%dma_wait3A_28 : memref<5128x128xf32, #tpu.memory_space<hbm>>)
        tpu.yield
      }) : () -> ()
    } else {
    }
    return
  }
}

module attributes {stable_mosaic.version = 14 : i64} {
  func.func @body_a(%arg0: i32, %arg1: memref<2000x128xf32, #tpu.memory_space<vmem>>, %arg2: memref<2000x1xf32, #tpu.memory_space<vmem>>, %arg3: memref<2000x128xf32, #tpu.memory_space<vmem>>, %arg4: memref<128x128xf32, #tpu.memory_space<vmem>>, %arg5: memref<1x128xf32, #tpu.memory_space<vmem>>, %arg6: memref<128x128xf32, #tpu.memory_space<vmem>>, %arg7: memref<2000x128xf32, #tpu.memory_space<vmem>>, %arg8: memref<8x128xf32, #tpu.memory_space<vmem>>) attributes {dimension_semantics = [#tpu.dimension_semantics<arbitrary>], iteration_bounds = array<i64: 5>, scalar_prefetch = 0 : i64, scratch_operands = 0 : i64, tpu.core_type = #tpu.core_type<tc>, window_params = [{transform_indices = @transform_0, window_bounds = array<i64: 2000, 128>}, {transform_indices = @transform_1, window_bounds = array<i64: 2000, 1>}, {transform_indices = @transform_2, window_bounds = array<i64: 2000, 128>}, {pipeline_mode = #tpu.pipeline_mode<synchronous>, transform_indices = @transform_3, window_bounds = array<i64: 128, 128>}, {pipeline_mode = #tpu.pipeline_mode<synchronous>, transform_indices = @transform_4, window_bounds = array<i64: 1, 128>}, {pipeline_mode = #tpu.pipeline_mode<synchronous>, transform_indices = @transform_5, window_bounds = array<i64: 128, 128>}, {transform_indices = @transform_6, window_bounds = array<i64: 2000, 128>}, {pipeline_mode = #tpu.pipeline_mode<synchronous>, transform_indices = @transform_7, window_bounds = array<i64: 8, 128>}]} {
    %eq3A = arith.constant 0 : i32
    %eq3A_0 = arith.cmpi eq, %arg0, %eq3A : i32
    %convert_element_type3A = arith.extui %eq3A_0 : i1 to i32
    %cond3A = arith.constant 0 : i32
    %cond3A_1 = arith.cmpi ne, %convert_element_type3A, %cond3A : i32
    scf.if %cond3A_1 {
      %broadcast_in_dim3A_47 = arith.constant 0.000000e+00 : f32
      %broadcast_in_dim3A_48 = vector.broadcast %broadcast_in_dim3A_47 : f32 to vector<8x128xf32>
      %swap3A_49 = arith.constant 0 : index
      %swap3A_50 = arith.constant 0 : index
      %swap3A_51 = vector.load %arg8[%swap3A_49, %swap3A_50] : memref<8x128xf32, #tpu.memory_space<vmem>>, vector<8x128xf32>
      tpu.vector_store %arg8[%swap3A_49, %swap3A_50], %broadcast_in_dim3A_48 {strides = array<i32>} : memref<8x128xf32, #tpu.memory_space<vmem>>, vector<8x128xf32>,
    } else {
    }
    %get3A = arith.constant 0 : index
    %get3A_2 = arith.constant 0 : index
    %get3A_3 = vector.load %arg1[%get3A, %get3A_2] : memref<2000x128xf32, #tpu.memory_space<vmem>>, vector<2000x128xf32>
    %get3A_4 = arith.constant 0 : index
    %get3A_5 = arith.constant 0 : index
    %get3A_6 = vector.load %arg2[%get3A_4, %get3A_5] : memref<2000x1xf32, #tpu.memory_space<vmem>>, vector<2000x1xf32>
    %max3A = arith.constant 1.000000e+00 : f32
    %max3A_7 = vector.broadcast %max3A : f32 to vector<2000x1xf32>
    %max3A_8 = arith.maximumf %get3A_6, %max3A_7 : vector<2000x1xf32>
    %div3A = vector.broadcast %max3A_8 : vector<2000x1xf32> to vector<2000x128xf32>
    %div3A_9 = arith.divf %get3A_3, %div3A : vector<2000x128xf32>
    %get3A_10 = arith.constant 0 : index
    %get3A_11 = arith.constant 0 : index
    %get3A_12 = vector.load %arg4[%get3A_10, %get3A_11] : memref<128x128xf32, #tpu.memory_space<vmem>>, vector<128x128xf32>
    %dot_general3A = arith.constant dense<0.000000e+00> : vector<2000x128xf32>
    %dot_general3A_13 = tpu.matmul %div3A_9, %get3A_12, %dot_general3A {dimension_numbers = #tpu.dot_dimension_numbers<[1], [1], [0], [0], [0, 0, 1, 0], [], []>, precision = #tpu.contract_precision<fp32>, transpose_lhs_hint = false} : vector<2000x128xf32>, vector<128x128xf32>, vector<2000x128xf32> -> vector<2000x128xf32>
    %get3A_14 = arith.constant 0 : index
    %get3A_15 = arith.constant 0 : index
    %get3A_16 = vector.load %arg5[%get3A_14, %get3A_15] : memref<1x128xf32, #tpu.memory_space<vmem>>, vector<1x128xf32>
    %add3A = vector.broadcast %get3A_16 : vector<1x128xf32> to vector<2000x128xf32>
    %add3A_17 = arith.addf %dot_general3A_13, %add3A : vector<2000x128xf32>
    %get3A_18 = arith.constant 0 : index
    %get3A_19 = arith.constant 0 : index
    %get3A_20 = vector.load %arg3[%get3A_18, %get3A_19] : memref<2000x128xf32, #tpu.memory_space<vmem>>, vector<2000x128xf32>
    %get3A_21 = arith.constant 0 : index
    %get3A_22 = arith.constant 0 : index
    %get3A_23 = vector.load %arg6[%get3A_21, %get3A_22] : memref<128x128xf32, #tpu.memory_space<vmem>>, vector<128x128xf32>
    %dot_general3A_24 = arith.constant dense<0.000000e+00> : vector<2000x128xf32>
    %dot_general3A_25 = tpu.matmul %get3A_20, %get3A_23, %dot_general3A_24 {dimension_numbers = #tpu.dot_dimension_numbers<[1], [1], [0], [0], [0, 0, 1, 0], [], []>, precision = #tpu.contract_precision<fp32>, transpose_lhs_hint = false} : vector<2000x128xf32>, vector<128x128xf32>, vector<2000x128xf32> -> vector<2000x128xf32>
    %add3A_26 = arith.addf %add3A_17, %dot_general3A_25 : vector<2000x128xf32>
    %swap3A = arith.constant 0 : index
    %swap3A_27 = arith.constant 0 : index
    %swap3A_28 = vector.load %arg7[%swap3A, %swap3A_27] : memref<2000x128xf32, #tpu.memory_space<vmem>>, vector<2000x128xf32>
    tpu.vector_store %arg7[%swap3A, %swap3A_27], %add3A_26 {strides = array<i32>} : memref<2000x128xf32, #tpu.memory_space<vmem>>, vector<2000x128xf32>,
    %get3A_29 = arith.constant 0 : index
    %get3A_30 = arith.constant 0 : index
    %get3A_31 = vector.load %arg8[%get3A_29, %get3A_30] : memref<8x128xf32, #tpu.memory_space<vmem>>, vector<1x128xf32>
    %reduce_sum3A = arith.constant dense<0.000000e+00> : vector<128xf32>
    %reduce_sum3A_32 = vector.multi_reduction <add>, %add3A_26, %reduce_sum3A [0] : vector<2000x128xf32> to vector<128xf32>
    %broadcast_in_dim3A = vector.shape_cast %reduce_sum3A_32 : vector<128xf32> to vector<1x128xf32>
    %add3A_33 = arith.addf %get3A_31, %broadcast_in_dim3A : vector<1x128xf32>
    %swap3A_34 = arith.constant 0 : index
    %swap3A_35 = arith.constant 0 : index
    %swap3A_36 = vector.load %arg8[%swap3A_34, %swap3A_35] : memref<8x128xf32, #tpu.memory_space<vmem>>, vector<1x128xf32>
    tpu.vector_store %arg8[%swap3A_34, %swap3A_35], %add3A_33 {strides = array<i32>} : memref<8x128xf32, #tpu.memory_space<vmem>>, vector<1x128xf32>,
    %get3A_37 = arith.constant 1 : index
    %get3A_38 = arith.constant 0 : index
    %get3A_39 = vector.load %arg8[%get3A_37, %get3A_38] : memref<8x128xf32, #tpu.memory_space<vmem>>, vector<1x128xf32>
    %mul3A = arith.mulf %add3A_26, %add3A_26 : vector<2000x128xf32>
    %reduce_sum3A_40 = arith.constant dense<0.000000e+00> : vector<128xf32>
    %reduce_sum3A_41 = vector.multi_reduction <add>, %mul3A, %reduce_sum3A_40 [0] : vector<2000x128xf32> to vector<128xf32>
    %broadcast_in_dim3A_42 = vector.shape_cast %reduce_sum3A_41 : vector<128xf32> to vector<1x128xf32>
    %add3A_43 = arith.addf %get3A_39, %broadcast_in_dim3A_42 : vector<1x128xf32>
    %swap3A_44 = arith.constant 1 : index
    %swap3A_45 = arith.constant 0 : index
    %swap3A_46 = vector.load %arg8[%swap3A_44, %swap3A_45] : memref<8x128xf32, #tpu.memory_space<vmem>>, vector<1x128xf32>
    tpu.vector_store %arg8[%swap3A_44, %swap3A_45], %add3A_43 {strides = array<i32>} : memref<8x128xf32, #tpu.memory_space<vmem>>, vector<1x128xf32>,
    return
  }
  func.func @transform_0(%arg0: i32) -> (i32, i32) {
    %c0_i32 = arith.constant 0 : i32
    %c0_i32_0 = arith.constant 0 : i32
    return %arg0, %c0_i32 : i32, i32
  }
  func.func @transform_1(%arg0: i32) -> (i32, i32) {
    %c0_i32 = arith.constant 0 : i32
    %c0_i32_0 = arith.constant 0 : i32
    return %arg0, %c0_i32 : i32, i32
  }
  func.func @transform_2(%arg0: i32) -> (i32, i32) {
    %c0_i32 = arith.constant 0 : i32
    %c0_i32_0 = arith.constant 0 : i32
    return %arg0, %c0_i32 : i32, i32
  }
  func.func @transform_3(%arg0: i32) -> (i32, i32) {
    %c0_i32 = arith.constant 0 : i32
    %c0_i32_0 = arith.constant 0 : i32
    %c0_i32_1 = arith.constant 0 : i32
    return %c0_i32, %c0_i32_0 : i32, i32
  }
  func.func @transform_4(%arg0: i32) -> (i32, i32) {
    %c0_i32 = arith.constant 0 : i32
    %c0_i32_0 = arith.constant 0 : i32
    %c0_i32_1 = arith.constant 0 : i32
    return %c0_i32, %c0_i32_0 : i32, i32
  }
  func.func @transform_5(%arg0: i32) -> (i32, i32) {
    %c0_i32 = arith.constant 0 : i32
    %c0_i32_0 = arith.constant 0 : i32
    %c0_i32_1 = arith.constant 0 : i32
    return %c0_i32, %c0_i32_0 : i32, i32
  }
  func.func @transform_6(%arg0: i32) -> (i32, i32) {
    %c0_i32 = arith.constant 0 : i32
    %c0_i32_0 = arith.constant 0 : i32
    return %arg0, %c0_i32 : i32, i32
  }
  func.func @transform_7(%arg0: i32) -> (i32, i32) {
    %c0_i32 = arith.constant 0 : i32
    %c0_i32_0 = arith.constant 0 : i32
    %c0_i32_1 = arith.constant 0 : i32
    return %c0_i32, %c0_i32_0 : i32, i32
  }
}

module attributes {stable_mosaic.version = 14 : i64} {
  func.func @body_b(%arg0: i32, %arg1: memref<2000x128xf32, #tpu.memory_space<vmem>>, %arg2: memref<8x128xf32, #tpu.memory_space<vmem>>, %arg3: memref<1x128xf32, #tpu.memory_space<vmem>>, %arg4: memref<1x128xf32, #tpu.memory_space<vmem>>, %arg5: memref<2000x128xf32, #tpu.memory_space<vmem>>) attributes {dimension_semantics = [#tpu.dimension_semantics<arbitrary>], iteration_bounds = array<i64: 5>, scalar_prefetch = 0 : i64, scratch_operands = 0 : i64, tpu.core_type = #tpu.core_type<tc>, window_params = [{transform_indices = @transform_0, window_bounds = array<i64: 2000, 128>}, {pipeline_mode = #tpu.pipeline_mode<synchronous>, transform_indices = @transform_1, window_bounds = array<i64: 8, 128>}, {pipeline_mode = #tpu.pipeline_mode<synchronous>, transform_indices = @transform_2, window_bounds = array<i64: 1, 128>}, {pipeline_mode = #tpu.pipeline_mode<synchronous>, transform_indices = @transform_3, window_bounds = array<i64: 1, 128>}, {transform_indices = @transform_4, window_bounds = array<i64: 2000, 128>}]} {
    %get3A = arith.constant 0 : index
    %get3A_0 = arith.constant 0 : index
    %get3A_1 = vector.load %arg2[%get3A, %get3A_0] : memref<8x128xf32, #tpu.memory_space<vmem>>, vector<1x128xf32>
    %mul3A = arith.constant 9.99999974E-5 : f32
    %mul3A_2 = vector.broadcast %mul3A : f32 to vector<1x128xf32>
    %mul3A_3 = arith.mulf %get3A_1, %mul3A_2 : vector<1x128xf32>
    %get3A_4 = arith.constant 1 : index
    %get3A_5 = arith.constant 0 : index
    %get3A_6 = vector.load %arg2[%get3A_4, %get3A_5] : memref<8x128xf32, #tpu.memory_space<vmem>>, vector<1x128xf32>
    %mul3A_7 = arith.constant 9.99999974E-5 : f32
    %mul3A_8 = vector.broadcast %mul3A_7 : f32 to vector<1x128xf32>
    %mul3A_9 = arith.mulf %get3A_6, %mul3A_8 : vector<1x128xf32>
    %mul3A_10 = arith.mulf %mul3A_3, %mul3A_3 : vector<1x128xf32>
    %sub3A = arith.subf %mul3A_9, %mul3A_10 : vector<1x128xf32>
    %get3A_11 = arith.constant 0 : index
    %get3A_12 = arith.constant 0 : index
    %get3A_13 = vector.load %arg1[%get3A_11, %get3A_12] : memref<2000x128xf32, #tpu.memory_space<vmem>>, vector<2000x128xf32>
    %get3A_14 = arith.constant 0 : index
    %get3A_15 = arith.constant 0 : index
    %get3A_16 = vector.load %arg3[%get3A_14, %get3A_15] : memref<1x128xf32, #tpu.memory_space<vmem>>, vector<1x128xf32>
    %sub3A_17 = vector.broadcast %mul3A_3 : vector<1x128xf32> to vector<2000x128xf32>
    %sub3A_18 = arith.subf %get3A_13, %sub3A_17 : vector<2000x128xf32>
    %mul3A_19 = vector.broadcast %get3A_16 : vector<1x128xf32> to vector<2000x128xf32>
    %mul3A_20 = arith.mulf %mul3A_19, %sub3A_18 : vector<2000x128xf32>
    %add3A = arith.constant 9.99999974E-6 : f32
    %add3A_21 = vector.broadcast %add3A : f32 to vector<1x128xf32>
    %add3A_22 = arith.addf %sub3A, %add3A_21 : vector<1x128xf32>
    %rsqrt3A = math.rsqrt %add3A_22 : vector<1x128xf32>
    %mul3A_23 = vector.broadcast %rsqrt3A : vector<1x128xf32> to vector<2000x128xf32>
    %mul3A_24 = arith.mulf %mul3A_20, %mul3A_23 : vector<2000x128xf32>
    %get3A_25 = arith.constant 0 : index
    %get3A_26 = arith.constant 0 : index
    %get3A_27 = vector.load %arg4[%get3A_25, %get3A_26] : memref<1x128xf32, #tpu.memory_space<vmem>>, vector<1x128xf32>
    %add3A_28 = vector.broadcast %get3A_27 : vector<1x128xf32> to vector<2000x128xf32>
    %add3A_29 = arith.addf %mul3A_24, %add3A_28 : vector<2000x128xf32>
    %swap3A = arith.constant 0 : index
    %swap3A_30 = arith.constant 0 : index
    %swap3A_31 = vector.load %arg5[%swap3A, %swap3A_30] : memref<2000x128xf32, #tpu.memory_space<vmem>>, vector<2000x128xf32>
    tpu.vector_store %arg5[%swap3A, %swap3A_30], %add3A_29 {strides = array<i32>} : memref<2000x128xf32, #tpu.memory_space<vmem>>, vector<2000x128xf32>,
    return
  }
  func.func @transform_0(%arg0: i32) -> (i32, i32) {
    %c0_i32 = arith.constant 0 : i32
    %c0_i32_0 = arith.constant 0 : i32
    return %arg0, %c0_i32 : i32, i32
  }
  func.func @transform_1(%arg0: i32) -> (i32, i32) {
    %c0_i32 = arith.constant 0 : i32
    %c0_i32_0 = arith.constant 0 : i32
    %c0_i32_1 = arith.constant 0 : i32
    return %c0_i32, %c0_i32_0 : i32, i32
  }
  func.func @transform_2(%arg0: i32) -> (i32, i32) {
    %c0_i32 = arith.constant 0 : i32
    %c0_i32_0 = arith.constant 0 : i32
    %c0_i32_1 = arith.constant 0 : i32
    return %c0_i32, %c0_i32_0 : i32, i32
  }
  func.func @transform_3(%arg0: i32) -> (i32, i32) {
    %c0_i32 = arith.constant 0 : i32
    %c0_i32_0 = arith.constant 0 : i32
    %c0_i32_1 = arith.constant 0 : i32
    return %c0_i32, %c0_i32_0 : i32, i32
  }
  func.func @transform_4(%arg0: i32) -> (i32, i32) {
    %c0_i32 = arith.constant 0 : i32
    %c0_i32_0 = arith.constant 0 : i32
    return %arg0, %c0_i32 : i32, i32
  }
}

</mosaic_0001>

<sc_bundles>
// kernel: kernel.6.cloned.1.call-start
scs
__scs_entry_jumppad:
0x0: {  	(pc) =	sbr.rel $0x88, $3  }
0x1: {  	(tag) =	ssettag $0x0;
	lr =	simm.s32 $0x1  }
0x2: {  	[smem:$0x3F9A] =	sst lr;
	_ =	strace $0xD0000000  }
0x3: {  	_ = 	snop  }
0x4: {  	_ = 	snop  }
0x5: {  	_ = 	snop  }
0x6: {  	_ = 	snop  }
0x7: {  	_ = 	snop  }
__scs_overlays_trampoline_lowered:
0x8: {  	[smem:$0x3FA9] =	sst s0  }
0x9: {  	[smem:$0x3FAA] =	sst s1  }
0xa: {  	[smem:$0x3FAB] =	sst s2  }
0xb: {  	[smem:$0x3FAC] =	sst s3  }
0xc: {  	[smem:$0x3FAD] =	sst s4  }
0xd: {  	[smem:$0x3FAE] =	sst s5  }
0xe: {  	[smem:$0x3FAF] =	sst s6  }
0xf: {  	[smem:$0x3FB0] =	sst s7  }
0x10: {  	[smem:$0x3FB1] =	sst s8  }
0x11: {  	[smem:$0x3FB2] =	sst s9;
	s0 =	simm.s32 @!p0 $0x0  }
0x12: {  	s1 =	sld [smem:$0x3F98];
	s0 =	simm.s32 @p0 $0x1  }
0x13: {  	[smem:$0x3FB3] =	sst s0;
	s0 =	simm.s32 @!p1 $0x0  }
0x14: {  	s2 =	sld [smem:$0x3F97];
	s0 =	simm.s32 @p1 $0x1  }
0x15: {  	[smem:$0x3FB4] =	sst s0;
	s0 =	simm.s32 @!p2 $0x0  }
0x16: {  	s3 =	sld [smem:$0x3FDB];
	s0 =	simm.s32 @p2 $0x1  }
0x17: {  	s4 =	simm.s32 $0x1BF5;
	[smem:$0x3FB6] =	sst s0  }
0x18: {  	s0 =	sld [smem:$0x3F99];
	_ =	swait.ge [sflag:s4], $0x0  }
0x19: {  	s7 =	sld [smem:$0x3F9A]  }
0x1a: {  	s8 =	sadd.s32 $0xFFFFE003, lr  }
0x1b: {  	s9 =	sadd.s32 $0xFFFFFEF7, lr;
	s5 =	simm.s32 $0xFFFFFFFF;
	p2 =	slt.u32 s8, $0xFFFFF086  }
0x1c: {  	p1 =	slt.u32 s9, $0xF7A;
	s5 =	simm.s32 @!p2 $0x0  }
0x1d: {  	s5 =	simm.s32 @p1 $0x1;
	p0 =	seq.s32 s7, s2  }
0x1e: {  	s7 =	smul.u32 @!p0 $0xF7A, s2;
	p2 =	seq.s32 @!p0 s5, $0x0  }
0x1f: {  	s9 =	smul.u32 $0xF7A, s1;
	s8 =	simm.s32 @!p0 $0x1BF5;
	p2 =	por !p2, p0  }
0x20: {  	[sflag:s8] =	ssyncset.s32 @!p0 $0xFFFFF086;
	s6 =	sadd.s32 @!p0 s3, s7;
	s7 =	simm.s32 @!p0 $0x108  }
0x21: {  	s3 =	sadd.s32 s3, s9;
	s6 =	sadd.s32 @!p0 $0x88, s6;
	s7 =	simm.s32 @p2 $0x1082  }
0x22: {  	[simem:s7], [sflag:s8] =	dma.local @!p0 [hbm:s6], $0xF7A  }
0x23: {  	s9 =	sor.u32 $0xD0000000, s2;
	s6 =	simm.s32 $0x108;
	_ =	swait.ge @!p0 [sflag:s8], $0x0  }
0x24: {  	s3 =	sadd.s32 $0x88, s3;
	s6 =	simm.s32 @!p1 $0x1082;
	[sflag:s4] =	ssyncset.s32 $0xFFFFF086  }
0x25: {  	[simem:s6], [sflag:s4] =	dma.local [hbm:s3], $0xF7A  }
0x26: {  	[smem:$0x3F9A] =	sst s1;
	(tag) =	ssettag s2;
	_ =	strace s9  }
0x27: {  	s1 =	sld [smem:$0x3FAA]  }
0x28: {  	s2 =	sld [smem:$0x3FAB]  }
0x29: {  	s4 =	sld [smem:$0x3FAD]  }
0x2a: {  	p0 =	seq.s32 s5, $0x0;
	s5 =	sld [smem:$0x3FAE]  }
0x2b: {  	s6 =	sld [smem:$0x3FAF]  }
0x2c: {  	s7 =	sld [smem:$0x3FB0]  }
0x2d: {  	s3 =	simm.s32 $0x108;
	s8 =	sld [smem:$0x3FB1]  }
0x2e: {  	s3 =	simm.s32 @!p0 $0x1082;
	s9 =	sld [smem:$0x3FB2]  }
0x2f: {  	lr =	sadd.s32 s0, s3;
	s0 =	sld [smem:$0x3FA9]  }
0x30: {  	s3 =	sld [smem:$0x3FAC]  }
0x31: {  	[smem:$0x3FB5] =	sst s10  }
0x32: {  	s10 =	sld [smem:$0x3FB3];
	_ =	sdelay $0x3  }
0x33: {  	p0 =	seq.s32 s10, $0x1;
	s10 =	sld [smem:$0x3FB5];
	_ =	sdelay $0x3  }
0x34: {  	[smem:$0x3FB5] =	sst s10  }
0x35: {  	s10 =	sld [smem:$0x3FB4];
	_ =	sdelay $0x3  }
0x36: {  	p1 =	seq.s32 s10, $0x1;
	s10 =	sld [smem:$0x3FB5];
	_ =	sdelay $0x3  }
0x37: {  	[smem:$0x3FB5] =	sst s10  }
0x38: {  	s10 =	sld [smem:$0x3FB6]  }
0x39: {  	_ = 	snop;
	(pc) =	sbr.ind lr, $3  }
0x3a: {  	_ = 	snop  }
0x3b: {  	_ = 	snop  }
0x3c: {  	p2 =	seq.s32 s10, $0x1;
	s10 =	sld [smem:$0x3FB5]  }
0x3d: {  	_ =	shalt  }
0x3e: {  	_ =	shalt  }
0x3f: {  	_ =	shalt  }
0x40: {  	_ =	shalt  }
0x41: {  	_ =	shalt  }
0x42: {  	_ =	shalt  }
0x43: {  	_ =	shalt  }
0x44: {  	_ =	shalt  }
0x45: {  	_ =	shalt  }
0x46: {  	_ =	shalt  }
0x47: {  	_ =	shalt  }
0x48: {  	_ =	shalt  }
0x49: {  	_ =	shalt  }
0x4a: {  	_ =	shalt  }
0x4b: {  	_ =	shalt  }
0x4c: {  	_ =	shalt  }
0x4d: {  	_ =	shalt  }
0x4e: {  	_ =	shalt  }
0x4f: {  	_ =	shalt  }
0x50: {  	_ =	shalt  }
0x51: {  	_ =	shalt  }
0x52: {  	_ =	shalt  }
0x53: {  	_ =	shalt  }
0x54: {  	_ =	shalt  }
0x55: {  	_ =	shalt  }
0x56: {  	_ =	shalt  }
0x57: {  	_ =	shalt  }
0x58: {  	_ =	shalt  }
0x59: {  	_ =	shalt  }
0x5a: {  	_ =	shalt  }
0x5b: {  	_ =	shalt  }
0x5c: {  	_ =	shalt  }
0x5d: {  	_ =	shalt  }
0x5e: {  	_ =	shalt  }
0x5f: {  	_ =	shalt  }
0x60: {  	_ =	shalt  }
0x61: {  	_ =	shalt  }
0x62: {  	_ =	shalt  }
0x63: {  	_ =	shalt  }
0x64: {  	_ =	shalt  }
0x65: {  	_ =	shalt  }
0x66: {  	_ =	shalt  }
0x67: {  	_ =	shalt  }
0x68: {  	_ =	shalt  }
0x69: {  	_ =	shalt  }
0x6a: {  	_ =	shalt  }
0x6b: {  	_ =	shalt  }
0x6c: {  	_ =	shalt  }
0x6d: {  	_ =	shalt  }
0x6e: {  	_ =	shalt  }
0x6f: {  	_ =	shalt  }
0x70: {  	_ =	shalt  }
0x71: {  	_ =	shalt  }
0x72: {  	_ =	shalt  }
0x73: {  	_ =	shalt  }
0x74: {  	_ =	shalt  }
0x75: {  	_ =	shalt  }
0x76: {  	_ =	shalt  }
0x77: {  	_ =	shalt  }
0x78: {  	_ =	shalt  }
0x79: {  	_ =	shalt  }
0x7a: {  	_ =	shalt  }
0x7b: {  	_ =	shalt  }
0x7c: {  	_ =	shalt  }
0x7d: {  	_ =	shalt  }
0x7e: {  	_ =	shalt  }
0x7f: {  	_ =	shalt  }
0x80: {  	_ =	shalt  }
0x81: {  	_ =	shalt  }
0x82: {  	_ =	shalt  }
0x83: {  	_ =	shalt  }
0x84: {  	_ =	shalt  }
0x85: {  	_ =	shalt  }
0x86: {  	_ =	shalt  }
0x87: {  	_ =	shalt  }
.Lfunc_end0:
.L_simem_size_0:
called_computation_lowered:
.L_overlay_start_0:
0x88: {  	s2 =	sld [smem:$0x3FD9]  }
0x89: {  	s3 =	sld [smem:$0x3FFE];
	_ =	sdelay $0x1  }
0x8a: {  	s1 =	srdreg.scid  }
0x8b: {  	s0 =	sand.u32 $0x1, s1  }
0x8c: {  	s14 =	sshll.u32 s0, $0xA;
	s2 =	sadd.s32 s3, s2  }
0x8d: {  	s2 =	sadd.s32 s2, s14  }
0x8e: {  	[smem:$0x3FC1] =	sst s2  }
0x8f: {  	_ = 	snop  }
0x90: {  	s2 =	sld [smem:$0x3FD0];
	_ =	sdelay $0x2  }
0x91: {  	s4 =	simm.s32 $0xB;
	s5 =	simm.s32 $0x10;
	s15 =	sld [smem:$0x3FC9]  }
0x92: {  	[smem:s5], [sflag:s4] =	dma.local [hbm:s2], $0x1  }
0x93: {  	_ =	swait.eq [sflag:s4], $0x1  }
0x94: {  	[sflag:s4] =	ssyncset.done $0x0  }
0x95: {  	s16 =	sld [smem:$0x10];
	[sflag:s4] =	ssyncadd.s32 $0xFFFFFFFF  }
0x96: {  	s17 =	sld [smem:$0x11];
	(tm) =	ssettm $0x1  }
0x97: {  	s18 =	sld [smem:$0x3FFB];
	_ =	sdelay $0x3  }
0x98: {  	_ =	strace s18  }
0x99: {  	s5 =	sld [smem:$0x3FFC];
	_ =	sdelay $0x3  }
0x9a: {  	_ =	strace s5  }
0x9b: {  	s5 =	sld [smem:$0x3FFD];
	_ =	sdelay $0x3  }
0x9c: {  	_ =	strace s5  }
0x9d: {  	_ =	strace $0x8FFFFFFF  }
0x9e: {  	s19 =	sld [smem:$0x3FDB];
	_ =	sdelay $0x1  }
0x9f: {  	s6 =	simm.s32 $_scs_section_size  }
0xa0: {  	s7 =	simm.s32 $_size__tile_overlayer_lowered;
	s8 =	simm.s32 $_tile_overlayer_lowered  }
0xa1: {  	s22 =	simm.s32 $0x1BFF;
	s21 =	sshll.u32 s8, $0x1;
	s5 =	sadd.s32 s6, s19  }
0xa2: {  	s9 =	simm.s32 $0x0;
	s20 =	sshll.u32 s7, $0x1;
	s7 =	sadd.s32 s21, s5  }
0xa3: {  	[timem:s9], [sflag:s22] =	dma.local [hbm:s7], s20  }
0xa4: {  	_ =	swait.ge [sflag:s22], s20  }
0xa5: {  	s6 =	ssub.s32 $0x0, s20;
	[sflag:s22] =	ssyncset.done $0x0  }
0xa6: {  	[sflag:s22] =	ssyncadd.s32 s6;
	_ =	sdelay $0x1  }
0xa7: {  	s23 =	simm.s32 $0x1B8B  }
0xa8: {  	_ =	swait.ge [sflag:s23], $0x1  }
0xa9: {  	[sflag:s23] =	ssyncset.done $0x0  }
0xaa: {  	s25 =	simm.s32 $0x1B8E;
	s24 =	sld [smem:$0x3FFE];
	[sflag:s23] =	ssyncadd.s32 $0xFFFFFFFF  }
0xab: {  	s26 =	simm.s32 $execute0_lowered;
	[smem:$0x3FD2] =	sst s25  }
0xac: {  	s7 =	sshll.u32 s26, $0x1;
	_ =	strace $0x80000046;
	[dreg:$0x1] =	wrdreg $0xFFFFFFFF  }
0xad: {  	s28 =	simm.s32 $_size_execute0_lowered;
	s5 =	sadd.s32 s5, s7;
	[dreg:$0x0] =	wrdreg $0x0  }
0xae: {  	s7 =	sshll.u32 s28, $0x1;
	[dreg:$0x2] =	wrdreg s5  }
0xaf: {  	[dreg:$0x3] =	wrdreg s7  }
0xb0: {  	[dreg:$0x4] =	wrdreg $0xC0  }
0xb1: {  	_ =	task [dreg:s9], $0x5FFFF  }
0xb2: {  	[dreg:$0x1] =	wrdreg $0xFFFFFFFF  }
0xb3: {  	[dreg:$0x0] =	wrdreg $0x60  }
0xb4: {  	[dreg:$0x2] =	wrdreg s15  }
0xb5: {  	[dreg:$0x3] =	wrdreg s16  }
0xb6: {  	[dreg:$0x4] =	wrdreg s24  }
0xb7: {  	[dreg:$0x5] =	wrdreg s17  }
0xb8: {  	[dreg:$0x6] =	wrdreg $0x41800  }
0xb9: {  	[dreg:$0x7] =	wrdreg $0x9  }
0xba: {  	_ =	task.clear_ibuf [dreg:s9], $0x8FFFF;
	_ =	strace $0x90000046  }
0xbb: {  	s29 =	simm.s32 $0x9;
	_ =	strace $0x80000048  }
0xbc: {  	_ =	swait.ge [sflag:s29], $0x1  }
0xbd: {  	[sflag:s29] =	ssyncadd.s32 $0xFFFFFFFF  }
0xbe: {  	_ =	strace $0x90000048  }
0xbf: {  	_ =	sfence  }
0xc0: {  	s30 =	sld [smem:$0x0];
	_ =	sdelay $0x2  }
0xc1: {  	s31 =	sshll.u32 s1, $0xD;
	s1 =	sshrl.u32 s1, $0x2  }
0xc2: {  	s3 =	sand.u32 $0x4000, s31;
	s1 =	sadd.s32 s1, s30  }
0xc3: {  	s0 =	sor.u32 s3, s0;
	s1 =	sshll.u32 s1, $0x11  }
0xc4: {  	s0 =	sor.u32 s1, s0  }
0xc5: {  	s0 =	sadd.s32 $0x8F2B, s0  }
0xc6: {  	[sflag:s0] =	ssyncadd.remote.s32 $0x1  }
0xc7: {  	_ =	sfence.sel $0xFFFF  }
0xc8: {  	[dreg:$0x0] =	wrdreg $0xFFFFFFFF;
	(pc) =	sbr.abs _section_cstart, $3  }
0xc9: {  	[dreg:$0x1] =	wrdreg $0xFFFFFFFF  }
0xca: {  	_ =	task.clear_ibuf [dreg:s9], $0x2FFFF;
	_ =	strace $0x9FFFFFFF  }
0xcb: {  	(tm) =	ssettm $0x7FFFFFFF  }
tec
execute0_lowered:
.L_overlay_start_1:
0x0: {  	(tag) =	ssettag $0x1  }
0x1: {  	s0 =	rddreg [dreg:$0x0]  }
0x2: {  	s8 =	rddreg [dreg:$0x1]  }
0x3: {  	s5 =	rddreg [dreg:$0x2]  }
0x4: {  	s1 =	rddreg [dreg:$0x3]  }
0x5: {  	s7 =	stileid.u32;
	s2 =	srdreg.scid  }
0x6: {  	s3 =	rddreg [dreg:$0x4];
	s4 =	simm.s32 $0x0;
	s15 =	simm.s32 $0x0  }
0x7: {  	s9 =	smul.u32 $0x9D0, s7;
	s6 =	sand.u32 $0x1, s2;
	s2 =	rddreg [dreg:$0x5]  }
0x8: {  	[smem:$0x7FF] =	sst s4;
	p0 =	sne.s32 s7, $0x0;
	s10 =	smul.u32 $0x14080, s6  }
0x9: {  	s11 =	ssub.s32 $0x2, s6;
	s13 =	smul.u32 $0x1400, s6;
	_ =	strace $0x80000047  }
0xa: {  	s12 =	sadd.s32 s9, s5;
	s31 =	sshrl.u32 s11, $0x1;
	s8 =	sadd.s32 s9, s8  }
0xb: {  	s9 =	sshrl.u32 @!p0 s3, $0x3;
	s5 =	sadd.s32 s10, s5;
	s6 =	ssub.s32 s11, s31  }
0xc: {  	s14 =	sadd.s32 $0x1400, s13;
	s7 =	sadd.s32 $0x1A00, s12;
	s10 =	simm.s32 $0x2  }
0xd: {  	s11 =	simm.s32 $0x80;
	s12 =	simm.s32 $0x180;
	v0 =	vmov s13;
	s13 =	simm.s32 $0x1  }
0xe: {  	s5 =	sadd.s32 $0xB800, s5;
	s6 =	smax.u32 s6, $0x1;
	v1 =	vmov s14;
	s14 =	simm.s32 $0x100  }
.LBB2_1:
0xf: {  	s16 =	simm.s32 @!p0 $0x1C02  }
0x10: {  	[spmem:s9], [sflag:s16] =	dma.local @!p0 [hbm:s1], $0x14080  }
0x11: {  	s16 =	simm.s32 @!p0 $0x2  }
0x12: {  	_ =	swait.ge @!p0 [sflag:s16], $0x14080  }
0x13: {  	[sflag:s16] =	ssyncset.done @!p0 $0x0  }
0x14: {  	[sflag:s16] =	ssyncadd.s32 @!p0 $0xFFFEBF80  }
0x15: {  	s30 =	sadd.s32 $0x0, s8;
	[bflag:$0x0] =	sbarrier.arrive $0xFFFF  }
0x16: {  	[tilespmem:s4], [sflag:$0x2] =	stream.linear.gather [hbm4b:s30+s4], $0x80, $0x38;
	[tilespmem:$0xE1C0] =	vst v63  }
0x17: {  	_ =	swait.ge [sflag:s10], $0x80  }
0x18: {  	[sflag:s10] =	ssyncset.done $0x0  }
0x19: {  	s31 =	sadd.s32 $0x0, s7;
	[sflag:s10] =	ssyncadd.s32 $0xFFFFFF80  }
0x1a: {  	[tilespmem:s11], [sflag:$0x2] =	stream.linear.gather [hbm4b:s31+s4], $0x80, $0x38;
	[tilespmem:$0xE1C0] =	vst v63  }
0x1b: {  	_ =	swait.ge [sflag:s10], $0x80  }
0x1c: {  	[sflag:s10] =	ssyncset.done $0x0  }
0x1d: {  	[sflag:s10] =	ssyncadd.s32 $0xFFFFFF80  }
0x1e: {  	[tilespmem:s12], [sflag:$0x1] =	stream.indirect.gather [hbm4b:s0+s11], $0x80, s4, s11, $0xb8;
	[tilespmem:$0xE1C0] =	vst v63  }
0x1f: {  	_ =	swait.ge [sflag:s13], $0x4000  }
0x20: {  	[sflag:s13] =	ssyncset.done $0x0  }
0x21: {  	[sflag:s13] =	ssyncadd.s32 $0xFFFFC000  }
0x22: {  	v2 =	vld [tilespmem:$0xF0]  }
0x23: {  	v3 =	vld [tilespmem:$0xE0]  }
0x24: {  	v7 =	vld [tilespmem:$0x90]  }
0x25: {  	v8 =	vld [tilespmem:$0x80]  }
0x26: {  	v4 =	vld [tilespmem:$0xA0]  }
0x27: {  	vm0 =	vge.s32 v2, v0;
	vm1 =	vlt.s32 v2, v1;
	v9 =	vsub.s32 v2, v0  }
0x28: {  	vm2 =	vge.s32 v3, v0;
	vm3 =	vlt.s32 v3, v1;
	v2 =	vsub.s32 v3, v0  }
0x29: {  	v6 =	vld [tilespmem:$0xB0];
	v5 =	vsub.s32 v7, v0;
	vm4 =	vlt.s32 v7, v1;
	vm2 =	vmand vm2, vm3  }
0x2a: {  	vm0 =	vmand vm0, vm1;
	vm1 =	vlt.s32 v8, v1;
	v3 =	vnsel vm2, $0x1400, v2;
	v2 =	vld [tilespmem:$0xC0]  }
0x2b: {  	vm3 =	vge.s32 v7, v0;
	v7 =	vsub.s32 v4, v0;
	vm2 =	vge.s32 v8, v0  }
0x2c: {  	v8 =	vsub.s32 v8, v0;
	v9 =	vnsel vm0, $0x1400, v9;
	[tilespmem:$0x160] =	vst v3;
	vm1 =	vmand vm2, vm1;
	v3 =	vld [tilespmem:$0xD0]  }
0x2d: {  	s16 =	simm.s32 $0x10;
	vm0 =	vmand vm3, vm4;
	[tilespmem:$0x170] =	vst v9;
	v8 =	vnsel vm1, $0x1400, v8;
	vm1 =	vlt.s32 v4, v1  }
.LBB2_2:
0x2e: {  	p1 =	sne.s32 s16, $0x9C0;
	[tilespmem:$0x100] =	vst v8;
	vm2 =	vge.s32 v6, v0;
	vm3 =	vlt.s32 v6, v1;
	v6 =	vsub.s32 v6, v0;
	s17 =	smov.u32 s16;
	s16 =	sadd.s32 $0x10, s16  }
0x2f: {  	vm4 =	vge.s32 v4, v0;
	vm2 =	vmand vm2, vm3;
	vm3 =	vge.s32 v2, v0  }
0x30: {  	v4 =	vnsel vm0, $0x1400, v5;
	vm0 =	vmand vm4, vm1;
	v5 =	vnsel vm2, $0x1400, v6  }
0x31: {  	vm1 =	vlt.s32 v3, v1;
	[tilespmem:$0x110] =	vst v4;
	v4 =	vnsel vm0, $0x1400, v7;
	vm0 =	vlt.s32 v2, v1  }
0x32: {  	vm2 =	vge.s32 v3, v0;
	v2 =	vsub.s32 v2, v0;
	[tilespmem:$0x130] =	vst v5;
	vm0 =	vmand vm3, vm0  }
0x33: {  	v3 =	vsub.s32 v3, v0;
	[tilespmem:$0x120] =	vst v4;
	v2 =	vnsel vm0, $0x1400, v2;
	vm0 =	vmand vm2, vm1  }
0x34: {  	[tilespmem:$0x140] =	vst v2;
	v2 =	vnsel vm0, $0x1400, v3  }
0x35: {  	[tilespmem:$0x150] =	vst v2  }
0x36: {  	[spmem:s3] =	stream.indirect.scatter.add.f32 [tilespmem:s12], [sflag:$0x2], $0x80, s14, s11, $0xb8;
	[tilespmem:$0xE1C0] =	vst v63  }
0x37: {  	_ =	swait.ge [sflag:s10], $0x4000  }
0x38: {  	[sflag:s10] =	ssyncset.done $0x0  }
0x39: {  	s18 =	sadd.s32 s17, s8;
	[sflag:s10] =	ssyncadd.s32 $0xFFFFC000  }
0x3a: {  	[tilespmem:s4], [sflag:$0x2] =	stream.linear.gather [hbm4b:s18+s4], $0x80, $0x38;
	[tilespmem:$0xE1C0] =	vst v63  }
0x3b: {  	_ =	swait.ge [sflag:s10], $0x80  }
0x3c: {  	[sflag:s10] =	ssyncset.done $0x0  }
0x3d: {  	s17 =	sadd.s32 s17, s7;
	[sflag:s10] =	ssyncadd.s32 $0xFFFFFF80  }
0x3e: {  	[tilespmem:s11], [sflag:$0x2] =	stream.linear.gather [hbm4b:s17+s4], $0x80, $0x38;
	[tilespmem:$0xE1C0] =	vst v63  }
0x3f: {  	_ =	swait.ge [sflag:s10], $0x80  }
0x40: {  	[sflag:s10] =	ssyncset.done $0x0  }
0x41: {  	[sflag:s10] =	ssyncadd.s32 $0xFFFFFF80  }
0x42: {  	[tilespmem:s12], [sflag:$0x1] =	stream.indirect.gather [hbm4b:s0+s11], $0x80, s4, s11, $0xb8;
	[tilespmem:$0xE1C0] =	vst v63  }
0x43: {  	_ =	swait.ge [sflag:s13], $0x4000  }
0x44: {  	[sflag:s13] =	ssyncset.done $0x0  }
0x45: {  	[sflag:s13] =	ssyncadd.s32 $0xFFFFC000  }
0x46: {  	v2 =	vld [tilespmem:$0xF0]  }
0x47: {  	v3 =	vld [tilespmem:$0xE0]  }
0x48: {  	v7 =	vld [tilespmem:$0x90]  }
0x49: {  	v8 =	vld [tilespmem:$0x80]  }
0x4a: {  	v4 =	vld [tilespmem:$0xA0]  }
0x4b: {  	v6 =	vld [tilespmem:$0xB0];
	vm0 =	vge.s32 v2, v0;
	vm1 =	vlt.s32 v2, v1;
	v9 =	vsub.s32 v2, v0  }
0x4c: {  	v2 =	vld [tilespmem:$0xC0];
	vm2 =	vge.s32 v3, v0;
	vm3 =	vlt.s32 v3, v1;
	v10 =	vsub.s32 v3, v0  }
.Ltmp0:
0x4d: {  	vm0 =	vmand vm0, vm1;
	v5 =	vsub.s32 v7, v0;
	v3 =	vld [tilespmem:$0xD0];
	vm2 =	vmand vm2, vm3;
	(pc) =	sbr.rel @p1 .LBB2_2-.Ltmp0, $4  }
0x4e: {  	vm3 =	vge.s32 v7, v0;
	vm1 =	vlt.s32 v8, v1;
	v10 =	vnsel vm2, $0x1400, v10  }
0x4f: {  	vm4 =	vlt.s32 v7, v1;
	vm2 =	vge.s32 v8, v0;
	v8 =	vsub.s32 v8, v0;
	[tilespmem:$0x160] =	vst v10  }
0x50: {  	v9 =	vnsel vm0, $0x1400, v9;
	vm1 =	vmand vm2, vm1;
	v7 =	vsub.s32 v4, v0  }
0x51: {  	vm0 =	vmand vm3, vm4;
	v8 =	vnsel vm1, $0x1400, v8;
	vm1 =	vlt.s32 v4, v1;
	[tilespmem:$0x170] =	vst v9  }
0x52: {  	vm2 =	vge.s32 v6, v0;
	vm3 =	vlt.s32 v6, v1;
	v60 =	vsub.s32 v6, v0  }
0x53: {  	vm4 =	vge.s32 v4, v0;
	vm10 =	vge.s32 v2, v0;
	v61 =	vnsel vm0, $0x1400, v5  }
0x54: {  	[tilespmem:$0x100] =	vst v8;
	vm12 =	vlt.s32 v2, v1;
	vm13 =	vlt.s32 v3, v1;
	vm2 =	vmand vm2, vm3  }
0x55: {  	v2 =	vsub.s32 v2, v0;
	vm11 =	vmand vm4, vm1;
	[tilespmem:$0x110] =	vst v61;
	v62 =	vnsel vm2, $0x1400, v60  }
0x56: {  	vm14 =	vge.s32 v3, v0;
	vm0 =	vmand vm10, vm12;
	v63 =	vnsel vm11, $0x1400, v7;
	[tilespmem:$0x130] =	vst v62  }
0x57: {  	v3 =	vsub.s32 v3, v0;
	vm15 =	vmand vm14, vm13;
	v2 =	vnsel vm0, $0x1400, v2;
	[tilespmem:$0x120] =	vst v63  }
0x58: {  	[tilespmem:$0x140] =	vst v2;
	v2 =	vnsel vm15, $0x1400, v3  }
0x59: {  	[tilespmem:$0x150] =	vst v2  }
0x5a: {  	[spmem:s3] =	stream.indirect.scatter.add.f32 [tilespmem:s12], [sflag:$0x2], $0x80, s14, s11, $0xb8;
	[tilespmem:$0xE1C0] =	vst v63  }
0x5b: {  	_ =	swait.ge [sflag:s10], $0x4000  }
0x5c: {  	[sflag:s10] =	ssyncset.done $0x0  }
0x5d: {  	s15 =	sadd.s32 $0x1, s15;
	[sflag:s10] =	ssyncadd.s32 $0xFFFFC000  }
0x5e: {  	s16 =	simm.s32 @!p0 $0x1C02;
	p1 =	sne.s32 s15, s6;
	[bflag:$0x0] =	sbarrier.arrive $0xFFFF  }
0x5f: {  	[hbm:s5], [sflag:s16] =	dma.local @!p0 [spmem:s9], $0x14080  }
.Ltmp1:
0x60: {  	_ = 	snop;
	(pc) =	sbr.rel @p1 .LBB2_1-.Ltmp1, $4  }
0x61: {  	s16 =	simm.s32 @!p0 $0x2  }
0x62: {  	_ =	swait.ge @!p0 [sflag:s16], $0x14080  }
0x63: {  	[sflag:s16] =	ssyncset.done @!p0 $0x0  }
0x64: {  	[sflag:s16] =	ssyncadd.s32 @!p0 $0xFFFEBF80  }
0x65: {  	_ =	sfence.sel $0x180000  }
0x66: {  	[bflag:$0x0] =	sbarrier.arrive $0xFFFF  }
0x67: {  	_ =	strace $0x90000047  }
0x68: {  	s0 =	sadd.s32 @!p0 $0x100000, s2;
	[bflag:$0x2] =	sbarrier.arrive $0xFFFF  }
0x69: {  	[sflag:s0] =	ssyncadd.tile.s32 @!p0 $0x1;
	_ =	shalt  }
.Lfunc_end2:
_tile_overlayer_lowered:
.L_overlay_start_2:
0x6a: {  	(tag) =	ssettag $0x2  }
0x6b: {  	s0 =	rddreg [dreg:$0x0];
	s2 =	stileid.u32  }
0x6c: {  	s1 =	rddreg [dreg:$0x1];
	p0 =	sne.s32 s2, $0x0  }
0x6d: {  	s3 =	rddreg [dreg:$0x2];
	[bflag:$0x3] =	sbarrier.arrive $0xFFFF;
	s2 =	simm.s32 @!p0 $0x1C02  }
0x6e: {  	[timem:s3], [sflag:s2] =	dma.local @!p0 [hbm:s0], s1  }
0x6f: {  	s0 =	simm.s32 @!p0 $0x2  }
0x70: {  	_ =	swait.ge @!p0 [sflag:s0], s1  }
0x71: {  	s1 =	ssub.s32 @!p0 $0x0, s1;
	[sflag:s0] =	ssyncset.done @!p0 $0x0  }
0x72: {  	[sflag:s0] =	ssyncadd.s32 @!p0 s1  }
0x73: {  	[bflag:$0x3] =	sbarrier.arrive $0xFFFF  }
0x74: {  	_ =	shalt  }

// kernel: kernel.9.cloned.1.call-start
scs
__scs_entry_jumppad:
0x0: {  	(pc) =	sbr.rel $0x88, $3  }
0x1: {  	(tag) =	ssettag $0x0;
	lr =	simm.s32 $0x1  }
0x2: {  	[smem:$0x3F9A] =	sst lr;
	_ =	strace $0xD0000000  }
0x3: {  	_ = 	snop  }
0x4: {  	_ = 	snop  }
0x5: {  	_ = 	snop  }
0x6: {  	_ = 	snop  }
0x7: {  	_ = 	snop  }
__scs_overlays_trampoline_lowered:
0x8: {  	[smem:$0x3FA9] =	sst s0  }
0x9: {  	[smem:$0x3FAA] =	sst s1  }
0xa: {  	[smem:$0x3FAB] =	sst s2  }
0xb: {  	[smem:$0x3FAC] =	sst s3  }
0xc: {  	[smem:$0x3FAD] =	sst s4  }
0xd: {  	[smem:$0x3FAE] =	sst s5  }
0xe: {  	[smem:$0x3FAF] =	sst s6  }
0xf: {  	[smem:$0x3FB0] =	sst s7  }
0x10: {  	[smem:$0x3FB1] =	sst s8  }
0x11: {  	[smem:$0x3FB2] =	sst s9;
	s0 =	simm.s32 @!p0 $0x0  }
0x12: {  	s1 =	sld [smem:$0x3F98];
	s0 =	simm.s32 @p0 $0x1  }
0x13: {  	[smem:$0x3FB3] =	sst s0;
	s0 =	simm.s32 @!p1 $0x0  }
0x14: {  	s2 =	sld [smem:$0x3F97];
	s0 =	simm.s32 @p1 $0x1  }
0x15: {  	[smem:$0x3FB4] =	sst s0;
	s0 =	simm.s32 @!p2 $0x0  }
0x16: {  	s3 =	sld [smem:$0x3FDB];
	s0 =	simm.s32 @p2 $0x1  }
0x17: {  	s4 =	simm.s32 $0x1BF5;
	[smem:$0x3FB6] =	sst s0  }
0x18: {  	s0 =	sld [smem:$0x3F99];
	_ =	swait.ge [sflag:s4], $0x0  }
0x19: {  	s7 =	sld [smem:$0x3F9A]  }
0x1a: {  	s8 =	sadd.s32 $0xFFFFE003, lr  }
0x1b: {  	s9 =	sadd.s32 $0xFFFFFEF7, lr;
	s5 =	simm.s32 $0xFFFFFFFF;
	p2 =	slt.u32 s8, $0xFFFFF086  }
0x1c: {  	p1 =	slt.u32 s9, $0xF7A;
	s5 =	simm.s32 @!p2 $0x0  }
0x1d: {  	s5 =	simm.s32 @p1 $0x1;
	p0 =	seq.s32 s7, s2  }
0x1e: {  	s7 =	smul.u32 @!p0 $0xF7A, s2;
	p2 =	seq.s32 @!p0 s5, $0x0  }
0x1f: {  	s9 =	smul.u32 $0xF7A, s1;
	s8 =	simm.s32 @!p0 $0x1BF5;
	p2 =	por !p2, p0  }
0x20: {  	[sflag:s8] =	ssyncset.s32 @!p0 $0xFFFFF086;
	s6 =	sadd.s32 @!p0 s3, s7;
	s7 =	simm.s32 @!p0 $0x108  }
0x21: {  	s3 =	sadd.s32 s3, s9;
	s6 =	sadd.s32 @!p0 $0x88, s6;
	s7 =	simm.s32 @p2 $0x1082  }
0x22: {  	[simem:s7], [sflag:s8] =	dma.local @!p0 [hbm:s6], $0xF7A  }
0x23: {  	s9 =	sor.u32 $0xD0000000, s2;
	s6 =	simm.s32 $0x108;
	_ =	swait.ge @!p0 [sflag:s8], $0x0  }
0x24: {  	s3 =	sadd.s32 $0x88, s3;
	s6 =	simm.s32 @!p1 $0x1082;
	[sflag:s4] =	ssyncset.s32 $0xFFFFF086  }
0x25: {  	[simem:s6], [sflag:s4] =	dma.local [hbm:s3], $0xF7A  }
0x26: {  	[smem:$0x3F9A] =	sst s1;
	(tag) =	ssettag s2;
	_ =	strace s9  }
0x27: {  	s1 =	sld [smem:$0x3FAA]  }
0x28: {  	s2 =	sld [smem:$0x3FAB]  }
0x29: {  	s4 =	sld [smem:$0x3FAD]  }
0x2a: {  	p0 =	seq.s32 s5, $0x0;
	s5 =	sld [smem:$0x3FAE]  }
0x2b: {  	s6 =	sld [smem:$0x3FAF]  }
0x2c: {  	s7 =	sld [smem:$0x3FB0]  }
0x2d: {  	s3 =	simm.s32 $0x108;
	s8 =	sld [smem:$0x3FB1]  }
0x2e: {  	s3 =	simm.s32 @!p0 $0x1082;
	s9 =	sld [smem:$0x3FB2]  }
0x2f: {  	lr =	sadd.s32 s0, s3;
	s0 =	sld [smem:$0x3FA9]  }
0x30: {  	s3 =	sld [smem:$0x3FAC]  }
0x31: {  	[smem:$0x3FB5] =	sst s10  }
0x32: {  	s10 =	sld [smem:$0x3FB3];
	_ =	sdelay $0x3  }
0x33: {  	p0 =	seq.s32 s10, $0x1;
	s10 =	sld [smem:$0x3FB5];
	_ =	sdelay $0x3  }
0x34: {  	[smem:$0x3FB5] =	sst s10  }
0x35: {  	s10 =	sld [smem:$0x3FB4];
	_ =	sdelay $0x3  }
0x36: {  	p1 =	seq.s32 s10, $0x1;
	s10 =	sld [smem:$0x3FB5];
	_ =	sdelay $0x3  }
0x37: {  	[smem:$0x3FB5] =	sst s10  }
0x38: {  	s10 =	sld [smem:$0x3FB6]  }
0x39: {  	_ = 	snop;
	(pc) =	sbr.ind lr, $3  }
0x3a: {  	_ = 	snop  }
0x3b: {  	_ = 	snop  }
0x3c: {  	p2 =	seq.s32 s10, $0x1;
	s10 =	sld [smem:$0x3FB5]  }
0x3d: {  	_ =	shalt  }
0x3e: {  	_ =	shalt  }
0x3f: {  	_ =	shalt  }
0x40: {  	_ =	shalt  }
0x41: {  	_ =	shalt  }
0x42: {  	_ =	shalt  }
0x43: {  	_ =	shalt  }
0x44: {  	_ =	shalt  }
0x45: {  	_ =	shalt  }
0x46: {  	_ =	shalt  }
0x47: {  	_ =	shalt  }
0x48: {  	_ =	shalt  }
0x49: {  	_ =	shalt  }
0x4a: {  	_ =	shalt  }
0x4b: {  	_ =	shalt  }
0x4c: {  	_ =	shalt  }
0x4d: {  	_ =	shalt  }
0x4e: {  	_ =	shalt  }
0x4f: {  	_ =	shalt  }
0x50: {  	_ =	shalt  }
0x51: {  	_ =	shalt  }
0x52: {  	_ =	shalt  }
0x53: {  	_ =	shalt  }
0x54: {  	_ =	shalt  }
0x55: {  	_ =	shalt  }
0x56: {  	_ =	shalt  }
0x57: {  	_ =	shalt  }
0x58: {  	_ =	shalt  }
0x59: {  	_ =	shalt  }
0x5a: {  	_ =	shalt  }
0x5b: {  	_ =	shalt  }
0x5c: {  	_ =	shalt  }
0x5d: {  	_ =	shalt  }
0x5e: {  	_ =	shalt  }
0x5f: {  	_ =	shalt  }
0x60: {  	_ =	shalt  }
0x61: {  	_ =	shalt  }
0x62: {  	_ =	shalt  }
0x63: {  	_ =	shalt  }
0x64: {  	_ =	shalt  }
0x65: {  	_ =	shalt  }
0x66: {  	_ =	shalt  }
0x67: {  	_ =	shalt  }
0x68: {  	_ =	shalt  }
0x69: {  	_ =	shalt  }
0x6a: {  	_ =	shalt  }
0x6b: {  	_ =	shalt  }
0x6c: {  	_ =	shalt  }
0x6d: {  	_ =	shalt  }
0x6e: {  	_ =	shalt  }
0x6f: {  	_ =	shalt  }
0x70: {  	_ =	shalt  }
0x71: {  	_ =	shalt  }
0x72: {  	_ =	shalt  }
0x73: {  	_ =	shalt  }
0x74: {  	_ =	shalt  }
0x75: {  	_ =	shalt  }
0x76: {  	_ =	shalt  }
0x77: {  	_ =	shalt  }
0x78: {  	_ =	shalt  }
0x79: {  	_ =	shalt  }
0x7a: {  	_ =	shalt  }
0x7b: {  	_ =	shalt  }
0x7c: {  	_ =	shalt  }
0x7d: {  	_ =	shalt  }
0x7e: {  	_ =	shalt  }
0x7f: {  	_ =	shalt  }
0x80: {  	_ =	shalt  }
0x81: {  	_ =	shalt  }
0x82: {  	_ =	shalt  }
0x83: {  	_ =	shalt  }
0x84: {  	_ =	shalt  }
0x85: {  	_ =	shalt  }
0x86: {  	_ =	shalt  }
0x87: {  	_ =	shalt  }
.Lfunc_end0:
.L_simem_size_0:
called_computation.1_lowered:
.L_overlay_start_0:
0x88: {  	s2 =	sld [smem:$0x3FD9]  }
0x89: {  	s3 =	sld [smem:$0x3FFE];
	_ =	sdelay $0x1  }
0x8a: {  	s1 =	srdreg.scid  }
0x8b: {  	s0 =	sand.u32 $0x1, s1  }
0x8c: {  	s15 =	sshll.u32 s0, $0xA;
	s2 =	sadd.s32 s3, s2  }
0x8d: {  	s2 =	sadd.s32 s2, s15  }
0x8e: {  	[smem:$0x3FC1] =	sst s2  }
0x8f: {  	_ = 	snop  }
0x90: {  	s2 =	sld [smem:$0x3FD0];
	_ =	sdelay $0x2  }
0x91: {  	s16 =	simm.s32 $0xB;
	s4 =	simm.s32 $0x10  }
0x92: {  	[smem:s4], [sflag:s16] =	dma.local [hbm:s2], $0x1  }
0x93: {  	_ =	swait.eq [sflag:s16], $0x1  }
0x94: {  	[sflag:s16] =	ssyncset.done $0x0  }
0x95: {  	[sflag:s16] =	ssyncadd.s32 $0xFFFFFFFF  }
0x96: {  	s17 =	sld [smem:$0x11];
	(tm) =	ssettm $0x1  }
0x97: {  	s18 =	sld [smem:$0x3FFB];
	_ =	sdelay $0x3  }
0x98: {  	_ =	strace s18  }
0x99: {  	s2 =	sld [smem:$0x3FFC];
	_ =	sdelay $0x3  }
0x9a: {  	_ =	strace s2  }
0x9b: {  	s2 =	sld [smem:$0x3FFD];
	_ =	sdelay $0x3  }
0x9c: {  	_ =	strace s2  }
0x9d: {  	_ =	strace $0x8FFFFFFF  }
0x9e: {  	s19 =	sld [smem:$0x3FDB];
	_ =	sdelay $0x1  }
0x9f: {  	s20 =	simm.s32 $_scs_section_size  }
0xa0: {  	s5 =	simm.s32 $_size__tile_overlayer_lowered;
	s6 =	simm.s32 $_tile_overlayer_lowered  }
0xa1: {  	s7 =	simm.s32 $0x1BFF;
	s21 =	sshll.u32 s6, $0x1;
	s4 =	sadd.s32 s20, s19  }
0xa2: {  	s22 =	simm.s32 $0x0;
	s5 =	sshll.u32 s5, $0x1;
	s6 =	sadd.s32 s21, s4  }
0xa3: {  	[timem:s22], [sflag:s7] =	dma.local [hbm:s6], s5  }
0xa4: {  	_ =	swait.ge [sflag:s7], s5  }
0xa5: {  	s5 =	ssub.s32 $0x0, s5;
	[sflag:s7] =	ssyncset.done $0x0  }
0xa6: {  	[sflag:s7] =	ssyncadd.s32 s5;
	_ =	sdelay $0x1  }
0xa7: {  	s23 =	simm.s32 $0x1B8B  }
0xa8: {  	_ =	swait.ge [sflag:s23], $0x1  }
0xa9: {  	[sflag:s23] =	ssyncset.done $0x0  }
0xaa: {  	[sflag:s23] =	ssyncadd.s32 $0xFFFFFFFF  }
0xab: {  	s5 =	sld [smem:$0x0]  }
0xac: {  	s6 =	sand.u32 $0xFFFFFFFE, s1  }
0xad: {  	p0 =	sne.s32 s1, s6  }
0xae: {  	s6 =	sshll.u32 @p0 s6, $0xE  }
0xaf: {  	s6 =	sadd.s32 @p0 $0x11B8D, s6;
	s7 =	sshll.u32 @p0 s5, $0x11  }
0xb0: {  	s6 =	sor.u32 @p0 s7, s6  }
0xb1: {  	[sflag:s6] =	ssyncadd.remote.s32 @p0 $0x1;
	_ =	sdelay $0x1  }
0xb2: {  	s6 =	simm.s32 @p0 $0x1B8D  }
0xb3: {  	_ =	swait.eq @p0 [sflag:s6], $0x1  }
0xb4: {  	[sflag:s6] =	ssyncadd.s32 @p0 $0xFFFFFFFF  }
0xb5: {  	s7 =	sshll.u32 @!p0 s1, $0xE  }
0xb6: {  	s7 =	sor.u32 @!p0 $0x4000, s7;
	s6 =	simm.s32 @!p0 $0x1B8D  }
0xb7: {  	s5 =	sshll.u32 @!p0 s5, $0x11;
	s7 =	sadd.s32 @!p0 $0x11B8D, s7;
	_ =	swait.eq @!p0 [sflag:s6], $0x1  }
0xb8: {  	s5 =	sor.u32 @!p0 s5, s7;
	[sflag:s6] =	ssyncadd.s32 @!p0 $0xFFFFFFFF  }
0xb9: {  	s25 =	simm.s32 $0x1B8E;
	s24 =	sld [smem:$0x3FFE];
	[sflag:s5] =	ssyncadd.remote.s32 @!p0 $0x1  }
0xba: {  	s26 =	simm.s32 $execute0_lowered;
	[smem:$0x3FD2] =	sst s25  }
0xbb: {  	s6 =	sshll.u32 s26, $0x1;
	_ =	strace $0x80000049;
	[dreg:$0x1] =	wrdreg $0xFFFFFFFF  }
0xbc: {  	s28 =	simm.s32 $_size_execute0_lowered;
	s4 =	sadd.s32 s4, s6;
	[dreg:$0x0] =	wrdreg $0x0  }
0xbd: {  	s6 =	sshll.u32 s28, $0x1;
	[dreg:$0x2] =	wrdreg s4  }
0xbe: {  	[dreg:$0x3] =	wrdreg s6  }
0xbf: {  	[dreg:$0x4] =	wrdreg $0xC0  }
0xc0: {  	_ =	task [dreg:s22], $0x5FFFF  }
0xc1: {  	[dreg:$0x1] =	wrdreg $0xFFFFFFFF  }
0xc2: {  	[dreg:$0x0] =	wrdreg $0x60  }
0xc3: {  	[dreg:$0x2] =	wrdreg s24  }
0xc4: {  	[dreg:$0x3] =	wrdreg s17  }
0xc5: {  	[dreg:$0x4] =	wrdreg $0x41000  }
0xc6: {  	[dreg:$0x5] =	wrdreg $0xA  }
0xc7: {  	_ =	task.clear_ibuf [dreg:s22], $0x6FFFF;
	_ =	strace $0x90000049  }
0xc8: {  	s29 =	simm.s32 $0xA;
	_ =	strace $0x8000004B  }
0xc9: {  	_ =	swait.ge [sflag:s29], $0x1  }
0xca: {  	[sflag:s29] =	ssyncadd.s32 $0xFFFFFFFF  }
0xcb: {  	_ =	strace $0x9000004B  }
0xcc: {  	_ =	sfence  }
0xcd: {  	s30 =	sld [smem:$0x0];
	_ =	sdelay $0x2  }
0xce: {  	s31 =	sshll.u32 s1, $0xD;
	s1 =	sshrl.u32 s1, $0x2  }
0xcf: {  	s4 =	sand.u32 $0x4000, s31;
	s1 =	sadd.s32 s1, s30  }
0xd0: {  	s0 =	sor.u32 s4, s0;
	s1 =	sshll.u32 s1, $0x11  }
0xd1: {  	s0 =	sor.u32 s1, s0  }
0xd2: {  	s0 =	sadd.s32 $0x8F2B, s0  }
0xd3: {  	[sflag:s0] =	ssyncadd.remote.s32 $0x1  }
0xd4: {  	_ =	sfence.sel $0xFFFF  }
0xd5: {  	[dreg:$0x0] =	wrdreg $0xFFFFFFFF;
	(pc) =	sbr.abs _section_cstart, $3  }
0xd6: {  	[dreg:$0x1] =	wrdreg $0xFFFFFFFF  }
0xd7: {  	_ =	task.clear_ibuf [dreg:s22], $0x2FFFF;
	_ =	strace $0x9FFFFFFF  }
0xd8: {  	(tm) =	ssettm $0x7FFFFFFF  }
0xd9: {  	_ =	shalt  }
tec
execute0_lowered:
.L_overlay_start_1:
0x0: {  	(tag) =	ssettag $0x1  }
0x1: {  	s4 =	rddreg [dreg:$0x0]  }
0x2: {  	s0 =	rddreg [dreg:$0x1]  }
0x3: {  	s6 =	stileid.u32;
	s1 =	srdreg.scid  }
0x4: {  	s2 =	rddreg [dreg:$0x2];
	s3 =	simm.s32 $0x0;
	s11 =	simm.s32 $0x0  }
0x5: {  	s5 =	smul.u32 $0x9D0, s6;
	s7 =	sand.u32 $0x1, s1;
	s1 =	rddreg [dreg:$0x3]  }
0x6: {  	[smem:$0x7FF] =	sst s3;
	p0 =	sne.s32 s6, $0x0;
	s8 =	smul.u32 $0x14080, s7  }
0x7: {  	s9 =	ssub.s32 $0x2, s7;
	s10 =	smul.u32 $0x1400, s7;
	_ =	strace $0x8000004A  }
0x8: {  	s7 =	sshrl.u32 @!p0 s2, $0x3;
	s29 =	sadd.s32 s5, s4;
	s30 =	sshrl.u32 s9, $0x1  }
0x9: {  	s4 =	sadd.s32 s8, s4;
	s5 =	ssub.s32 s9, s30;
	s31 =	sadd.s32 $0x1400, s10  }
0xa: {  	s6 =	sadd.s32 $0x1A00, s29;
	s8 =	simm.s32 $0x1;
	s9 =	simm.s32 $0x80  }
0xb: {  	v2 =	vimm.f32 $1.000000000e+00;
	v0 =	vmov s10;
	s10 =	simm.s32 $0x100;
	s4 =	sadd.s32 $0x33A00, s4;
	s5 =	smax.u32 s5, $0x1;
	v1 =	vmov s31  }
.LBB2_1:
0xc: {  	s12 =	simm.s32 $0x0;
	s13 =	simm.s32 $0x200  }
.LBB2_2:
0xd: {  	p1 =	sne.s32 s13, $0xFE00;
	[tilespmem:s12+$0x170] =	vst v2  }
0xe: {  	[tilespmem:s12+$0x100] =	vst v2  }
0xf: {  	[tilespmem:s12+$0x110] =	vst v2  }
.Ltmp0:
0x10: {  	[tilespmem:s12+$0x120] =	vst v2;
	(pc) =	sbr.rel @p1 .LBB2_2-.Ltmp0, $4  }
0x11: {  	[tilespmem:s12+$0x130] =	vst v2  }
0x12: {  	[tilespmem:s12+$0x140] =	vst v2  }
0x13: {  	[tilespmem:s12+$0x150] =	vst v2  }
0x14: {  	[tilespmem:s12+$0x160] =	vst v2;
	s12 =	sshra.s32 s13, $0x2;
	s13 =	sadd.s32 $0x200, s13  }
0x15: {  	[tilespmem:s12+$0x170] =	vst v2  }
0x16: {  	[tilespmem:s12+$0x100] =	vst v2  }
0x17: {  	[tilespmem:s12+$0x110] =	vst v2  }
0x18: {  	[tilespmem:s12+$0x120] =	vst v2  }
0x19: {  	[tilespmem:s12+$0x130] =	vst v2  }
0x1a: {  	[tilespmem:s12+$0x140] =	vst v2  }
0x1b: {  	[tilespmem:s12+$0x150] =	vst v2  }
0x1c: {  	[tilespmem:s12+$0x160] =	vst v2;
	s12 =	simm.s32 @!p0 $0x1C01  }
0x1d: {  	[spmem:s7], [sflag:s12] =	dma.local @!p0 [hbm:s0], $0x14080  }
0x1e: {  	s12 =	simm.s32 @!p0 $0x1  }
0x1f: {  	_ =	swait.ge @!p0 [sflag:s12], $0x14080  }
0x20: {  	[sflag:s12] =	ssyncset.done @!p0 $0x0  }
0x21: {  	[sflag:s12] =	ssyncadd.s32 @!p0 $0xFFFEBF80  }
0x22: {  	s31 =	sadd.s32 $0x0, s6;
	[bflag:$0x0] =	sbarrier.arrive $0xFFFF  }
0x23: {  	[tilespmem:s3], [sflag:$0x1] =	stream.linear.gather [hbm4b:s31+s3], $0x80, $0x38;
	[tilespmem:$0xE140] =	vst v63  }
0x24: {  	_ =	swait.ge [sflag:s8], $0x80  }
0x25: {  	[sflag:s8] =	ssyncset.done $0x0  }
0x26: {  	[sflag:s8] =	ssyncadd.s32 $0xFFFFFF80  }
0x27: {  	v4 =	vld [tilespmem:$0x70]  }
0x28: {  	v5 =	vld [tilespmem:$0x60]  }
0x29: {  	v6 =	vld [tilespmem:$0x10];
	_ =	sdelay $0x2  }
0x2a: {  	v7 =	vld [tilespmem:$0x0];
	vm0 =	vge.s32 v4, v0  }
0x2b: {  	v3 =	vld [tilespmem:$0x20];
	vm1 =	vlt.s32 v4, v1;
	v9 =	vsub.s32 v4, v0;
	vm2 =	vge.s32 v5, v0  }
0x2c: {  	v4 =	vld [tilespmem:$0x40];
	vm3 =	vlt.s32 v5, v1;
	v5 =	vsub.s32 v5, v0;
	v8 =	vsub.s32 v6, v0  }
0x2d: {  	vm4 =	vlt.s32 v6, v1;
	vm2 =	vmand vm2, vm3;
	vm3 =	vge.s32 v6, v0;
	v6 =	vld [tilespmem:$0x30]  }
0x2e: {  	vm0 =	vmand vm0, vm1;
	v10 =	vnsel vm2, $0x1400, v5  }
0x2f: {  	vm1 =	vlt.s32 v7, v1;
	vm2 =	vge.s32 v7, v0;
	[tilespmem:$0xE0] =	vst v10;
	v10 =	vsub.s32 v7, v0;
	v7 =	vld [tilespmem:$0x50]  }
0x30: {  	v5 =	vsub.s32 v3, v0;
	v11 =	vnsel vm0, $0x1400, v9;
	vm1 =	vmand vm2, vm1  }
0x31: {  	s12 =	simm.s32 $0x10;
	vm0 =	vmand vm3, vm4;
	[tilespmem:$0xF0] =	vst v11;
	v10 =	vnsel vm1, $0x1400, v10;
	v9 =	vsub.s32 v4, v0  }
.LBB2_4:
0x32: {  	p1 =	sne.s32 s12, $0x9C0;
	[tilespmem:$0x80] =	vst v10;
	vm1 =	vge.s32 v3, v0;
	vm2 =	vge.s32 v6, v0;
	vm3 =	vlt.s32 v6, v1;
	s13 =	smov.u32 s12;
	s12 =	sadd.s32 $0x10, s12  }
0x33: {  	vm4 =	vlt.s32 v3, v1;
	vm2 =	vmand vm2, vm3;
	vm3 =	vlt.s32 v4, v1  }
0x34: {  	v3 =	vnsel vm0, $0x1400, v8;
	v6 =	vsub.s32 v6, v0;
	vm0 =	vlt.s32 v7, v1  }
0x35: {  	vm5 =	vge.s32 v7, v0;
	vm1 =	vmand vm1, vm4;
	vm4 =	vge.s32 v4, v0;
	[tilespmem:$0x90] =	vst v3  }
0x36: {  	vm0 =	vmand vm5, vm0;
	vm3 =	vmand vm4, vm3;
	v3 =	vsub.s32 v7, v0  }
0x37: {  	v4 =	vnsel vm1, $0x1400, v5;
	v5 =	vnsel vm3, $0x1400, v9;
	v3 =	vnsel vm0, $0x1400, v3  }
0x38: {  	v6 =	vnsel vm2, $0x1400, v6;
	[tilespmem:$0xD0] =	vst v3  }
0x39: {  	[tilespmem:$0xB0] =	vst v6  }
0x3a: {  	[tilespmem:$0xC0] =	vst v5  }
0x3b: {  	[tilespmem:$0xA0] =	vst v4  }
0x3c: {  	[spmem:s2] =	stream.indirect.scatter.add.f32 [tilespmem:s10], [sflag:$0x1], $0x80, s9, s9, $0xb8;
	[tilespmem:$0xE140] =	vst v63  }
0x3d: {  	_ =	swait.ge [sflag:s8], $0x4000  }
0x3e: {  	[sflag:s8] =	ssyncset.done $0x0  }
0x3f: {  	s13 =	sadd.s32 s13, s6;
	[sflag:s8] =	ssyncadd.s32 $0xFFFFC000  }
0x40: {  	[tilespmem:s3], [sflag:$0x1] =	stream.linear.gather [hbm4b:s13+s3], $0x80, $0x38;
	[tilespmem:$0xE140] =	vst v63  }
0x41: {  	_ =	swait.ge [sflag:s8], $0x80  }
0x42: {  	[sflag:s8] =	ssyncset.done $0x0  }
0x43: {  	[sflag:s8] =	ssyncadd.s32 $0xFFFFFF80  }
0x44: {  	v4 =	vld [tilespmem:$0x70]  }
0x45: {  	v5 =	vld [tilespmem:$0x60]  }
0x46: {  	v9 =	vld [tilespmem:$0x10]  }
0x47: {  	v10 =	vld [tilespmem:$0x0]  }
0x48: {  	v3 =	vld [tilespmem:$0x20]  }
0x49: {  	v6 =	vld [tilespmem:$0x30];
	vm0 =	vge.s32 v4, v0;
	vm1 =	vlt.s32 v4, v1;
	v11 =	vsub.s32 v4, v0  }
0x4a: {  	v4 =	vld [tilespmem:$0x40];
	vm2 =	vge.s32 v5, v0;
	vm3 =	vlt.s32 v5, v1;
	v5 =	vsub.s32 v5, v0  }
.Ltmp1:
0x4b: {  	vm0 =	vmand vm0, vm1;
	v8 =	vsub.s32 v9, v0;
	v7 =	vld [tilespmem:$0x50];
	vm2 =	vmand vm2, vm3;
	(pc) =	sbr.rel @p1 .LBB2_4-.Ltmp1, $4  }
0x4c: {  	vm3 =	vge.s32 v9, v0;
	vm1 =	vlt.s32 v10, v1;
	v12 =	vnsel vm2, $0x1400, v5  }
0x4d: {  	vm4 =	vlt.s32 v9, v1;
	vm2 =	vge.s32 v10, v0;
	v5 =	vsub.s32 v3, v0;
	[tilespmem:$0xE0] =	vst v12  }
0x4e: {  	v11 =	vnsel vm0, $0x1400, v11;
	v9 =	vsub.s32 v10, v0;
	vm1 =	vmand vm2, vm1  }
0x4f: {  	vm0 =	vmand vm3, vm4;
	v10 =	vnsel vm1, $0x1400, v9;
	v9 =	vsub.s32 v4, v0;
	[tilespmem:$0xF0] =	vst v11  }
0x50: {  	vm1 =	vge.s32 v6, v0  }
0x51: {  	vm2 =	vlt.s32 v6, v1;
	vm3 =	vge.s32 v3, v0;
	v8 =	vnsel vm0, $0x1400, v8  }
0x52: {  	vm12 =	vlt.s32 v7, v1;
	vm13 =	vge.s32 v7, v0;
	vm14 =	vlt.s32 v4, v1  }
0x53: {  	[tilespmem:$0x80] =	vst v10;
	v60 =	vsub.s32 v7, v0;
	v61 =	vsub.s32 v6, v0;
	vm0 =	vmand vm13, vm12  }
0x54: {  	vm4 =	vge.s32 v4, v0;
	vm1 =	vmand vm1, vm2;
	[tilespmem:$0x90] =	vst v8;
	v62 =	vnsel vm0, $0x1400, v60  }
0x55: {  	vm15 =	vlt.s32 v3, v1;
	vm2 =	vmand vm4, vm14;
	v3 =	vnsel vm1, $0x1400, v61;
	[tilespmem:$0xD0] =	vst v62  }
0x56: {  	vm0 =	vmand vm3, vm15;
	v63 =	vnsel vm2, $0x1400, v9;
	[tilespmem:$0xB0] =	vst v3  }
0x57: {  	v3 =	vnsel vm0, $0x1400, v5;
	[tilespmem:$0xC0] =	vst v63  }
0x58: {  	[tilespmem:$0xA0] =	vst v3  }
0x59: {  	[spmem:s2] =	stream.indirect.scatter.add.f32 [tilespmem:s10], [sflag:$0x1], $0x80, s9, s9, $0xb8;
	[tilespmem:$0xE140] =	vst v63  }
0x5a: {  	_ =	swait.ge [sflag:s8], $0x4000  }
0x5b: {  	[sflag:s8] =	ssyncset.done $0x0  }
0x5c: {  	s11 =	sadd.s32 $0x1, s11;
	[sflag:s8] =	ssyncadd.s32 $0xFFFFC000  }
0x5d: {  	s12 =	simm.s32 @!p0 $0x1C01;
	p1 =	sne.s32 s11, s5;
	[bflag:$0x0] =	sbarrier.arrive $0xFFFF  }
0x5e: {  	[hbm:s4], [sflag:s12] =	dma.local @!p0 [spmem:s7], $0x14080  }
.Ltmp2:
0x5f: {  	_ = 	snop;
	(pc) =	sbr.rel @p1 .LBB2_1-.Ltmp2, $4  }
0x60: {  	s12 =	simm.s32 @!p0 $0x1  }
0x61: {  	_ =	swait.ge @!p0 [sflag:s12], $0x14080  }
0x62: {  	[sflag:s12] =	ssyncset.done @!p0 $0x0  }
0x63: {  	[sflag:s12] =	ssyncadd.s32 @!p0 $0xFFFEBF80  }
0x64: {  	_ =	sfence.sel $0x180000  }
0x65: {  	[bflag:$0x0] =	sbarrier.arrive $0xFFFF  }
0x66: {  	_ =	strace $0x9000004A  }
0x67: {  	s0 =	sadd.s32 @!p0 $0x100000, s1;
	[bflag:$0x2] =	sbarrier.arrive $0xFFFF  }
0x68: {  	[sflag:s0] =	ssyncadd.tile.s32 @!p0 $0x1;
	_ =	shalt  }
.Lfunc_end2:
_tile_overlayer_lowered:
.L_overlay_start_2:
0x69: {  	(tag) =	ssettag $0x2  }
0x6a: {  	s0 =	rddreg [dreg:$0x0];
	s2 =	stileid.u32  }
0x6b: {  	s1 =	rddreg [dreg:$0x1];
	p0 =	sne.s32 s2, $0x0  }
0x6c: {  	s3 =	rddreg [dreg:$0x2];
	[bflag:$0x3] =	sbarrier.arrive $0xFFFF;
	s2 =	simm.s32 @!p0 $0x1C01  }
0x6d: {  	[timem:s3], [sflag:s2] =	dma.local @!p0 [hbm:s0], s1  }
0x6e: {  	s0 =	simm.s32 @!p0 $0x1  }
0x6f: {  	_ =	swait.ge @!p0 [sflag:s0], s1  }
0x70: {  	s1 =	ssub.s32 @!p0 $0x0, s1;
	[sflag:s0] =	ssyncset.done @!p0 $0x0  }
0x71: {  	[sflag:s0] =	ssyncadd.s32 @!p0 s1  }
0x72: {  	[bflag:$0x3] =	sbarrier.arrive $0xFFFF  }
0x73: {  	_ =	shalt  }

</sc_bundles>
